<compile_context>
chip_gen: v7x
topology: tpu7x:2x2x1
jax: 0.10.2.dev20260603
libtpu: 0.0.44.dev20260713+nightly
codegen_flags: <defaults>
</compile_context>

<pallas_src>
import jax
import jax.numpy as jnp
from jax import lax
from jax.experimental import pallas as pl
from jax.experimental.pallas import tpu as pltpu
from jax.experimental.pallas import tpu_sc as plsc

EMB = 64
WIDE = 128
NEXP = 64
NW = 32
GSUB = 128
NG = 2
CHUNK = NG * GSUB


def _gather_body(table_hbm, idx_hbm, out_hbm,
                 idx_all, rows_a, rows_b,
                 gsem_a, gsem_b, wsem_a, wsem_b):
    tok = out_hbm.shape[0]
    per_w = tok // NW
    nch = per_w // CHUNK
    npairs = nch // 2
    nirows = per_w // GSUB
    wid = lax.axis_index("s") * 2 + lax.axis_index("c")
    row0 = wid * per_w
    irow0 = row0 // GSUB

    pltpu.sync_copy(idx_hbm.at[pl.ds(pl.multiple_of(irow0, 8), nirows)],
                    idx_all)

    def fire(c, rows_v, gsem):
        for j in range(NG):
            pltpu.async_copy(table_hbm.at[idx_all.at[c * NG + j]],
                             rows_v.at[pl.ds(j * GSUB, GSUB)], gsem)

    def wait_g(rows_v, gsem):
        for j in range(NG):
            pltpu.make_async_copy(table_hbm.at[idx_all.at[j]],
                                  rows_v.at[pl.ds(j * GSUB, GSUB)],
                                  gsem).wait()

    def fire_wb(c, rows_v, wsem):
        pltpu.async_copy(rows_v, out_hbm.at[pl.ds(row0 + c * CHUNK, CHUNK)],
                         wsem)

    def wait_wb(rows_v, wsem):
        pltpu.make_async_copy(rows_v, out_hbm.at[pl.ds(row0, CHUNK)],
                              wsem).wait()

    fire(0, rows_a, gsem_a)
    fire(1, rows_b, gsem_b)

    def body(i, _):
        c = 2 * i
        wait_g(rows_a, gsem_a)
        fire_wb(c, rows_a, wsem_a)
        wait_g(rows_b, gsem_b)
        fire_wb(c + 1, rows_b, wsem_b)
        wait_wb(rows_a, wsem_a)
        fire(c + 2, rows_a, gsem_a)
        wait_wb(rows_b, wsem_b)
        fire(c + 3, rows_b, gsem_b)
        return 0

    lax.fori_loop(0, npairs - 1, body, 0)

    wait_g(rows_a, gsem_a)
    fire_wb(nch - 2, rows_a, wsem_a)
    wait_g(rows_b, gsem_b)
    fire_wb(nch - 1, rows_b, wsem_b)
    wait_wb(rows_a, wsem_a)
    wait_wb(rows_b, wsem_b)


def _sc_gather(table2, idx2d, tok):
    mesh = plsc.VectorSubcoreMesh(core_axis_name="c", subcore_axis_name="s")
    nirows = tok // NW // GSUB
    return pl.kernel(
        _gather_body,
        out_type=jax.ShapeDtypeStruct((tok, WIDE), jnp.float32),
        mesh=mesh,
        scratch_types=[
            pltpu.VMEM((nirows, GSUB), jnp.int32),
            pltpu.VMEM((CHUNK, WIDE), jnp.float32),
            pltpu.VMEM((CHUNK, WIDE), jnp.float32),
            pltpu.SemaphoreType.DMA,
            pltpu.SemaphoreType.DMA,
            pltpu.SemaphoreType.DMA,
            pltpu.SemaphoreType.DMA,
        ],
    )(table2, idx2d)


def _router_body(h2_ref, xp_ref, w_ref, h_ref, out_ref):
    h2 = h2_ref[...]
    odd = (xp_ref[...] & 1) == 1
    h = jnp.where(odd, h2[:, EMB:], h2[:, :EMB])
    h_ref[...] = h
    out_ref[...] = lax.dot_general(
        h, w_ref[...], (((1,), (1,)), ((), ())),
        preferred_element_type=jnp.float32)


def _router(h2, xcol, router_w, tok, blk=2048):
    return pl.pallas_call(
        _router_body,
        grid=(tok // blk,),
        in_specs=[
            pl.BlockSpec((blk, WIDE), lambda i: (i, 0)),
            pl.BlockSpec((blk, 1), lambda i: (i, 0)),
            pl.BlockSpec((NEXP, EMB), lambda i: (0, 0)),
        ],
        out_specs=[
            pl.BlockSpec((blk, EMB), lambda i: (i, 0)),
            pl.BlockSpec((blk, NEXP), lambda i: (i, 0)),
        ],
        out_shape=[
            jax.ShapeDtypeStruct((tok, EMB), jnp.float32),
            jax.ShapeDtypeStruct((tok, NEXP), jnp.float32),
        ],
    )(h2, xcol, router_w)


def kernel(x, embed_table, router_w):
    b, l = x.shape
    tok = b * l
    vocab = embed_table.shape[0]
    xi = x.astype(jnp.int32).reshape(tok)
    idx2d = (xi >> 1).reshape(tok // GSUB, GSUB)
    table2 = embed_table.reshape(vocab // 2, WIDE)
    h2 = _sc_gather(table2, idx2d, tok)
    h_flat, logits_flat = _router(h2, xi.reshape(tok, 1), router_w, tok)
    return h_flat.reshape(b, l, EMB), logits_flat.reshape(b, l, NEXP)

# --- scband reference (transcript-rebuilt; emitter-appended) ---
"""Pipeline reference for scband-pre-model-11897059410173 (READ-ONLY COPY).

The authoritative reference and input builder live on the scoring server;
editing this copy changes nothing except your own understanding.
"""

import jax, jax.numpy as jnp
import numpy as np

VOCAB = 1000000
EMB = 64
NUM_EXPERTS = 64


def setup_inputs(seed: int = 0) -> dict:
    key = jax.random.key(seed)
    k1, k2, k3 = jax.random.split(key, 3)
    x = jax.random.randint(k1, (16384, 50), 0, VOCAB, dtype=jnp.int64) if jax.config.jax_enable_x64 else jax.random.randint(k1, (16384, 50), 0, VOCAB, dtype=jnp.int32)
    embed_table = jax.random.normal(k2, (VOCAB, EMB), dtype=jnp.float32)
    router_w = jax.random.normal(k3, (NUM_EXPERTS, EMB), dtype=jnp.float32) * 0.02
    return {"x": x, "embed_table": embed_table, "router_w": router_w}


def reference(x, embed_table, router_w):
    # h = self.embed(x)  -> gather rows from embedding table
    h = jnp.take(embed_table, x, axis=0)  # [B, L, EMB]
    # logits = self.router(h)  -> Linear with no bias: h @ W^T
    logits = h @ router_w.T  # [B, L, NUM_EXPERTS]
    return (h, logits)

if __name__ == "__main__":
    import jax
    _d = setup_inputs()
    print(jax.jit(kernel)(*tuple(_d.values())))

</pallas_src>

<mosaic_0001>
#map = affine_map<(d0, d1) -> (0, 0)>
module attributes {stable_mosaic.version = 14 : i64} {
  func.func @_gather_body(%arg0: i32, %arg1: i32, %arg2: memref<500000x128xf32, #tpu.memory_space<hbm>>, %arg3: memref<6400x128xi32, #tpu.memory_space<hbm>>, %arg4: memref<819200x128xf32, #tpu.memory_space<hbm>>, %arg5: memref<200x128xi32, #tpu.memory_space<vmem>>, %arg6: memref<256x128xf32, #tpu.memory_space<vmem>>, %arg7: memref<256x128xf32, #tpu.memory_space<vmem>>, %arg8: memref<!tpu.dma_semaphore, #tpu.memory_space<semaphore_mem>>, %arg9: memref<!tpu.dma_semaphore, #tpu.memory_space<semaphore_mem>>, %arg10: memref<!tpu.dma_semaphore, #tpu.memory_space<semaphore_mem>>, %arg11: memref<!tpu.dma_semaphore, #tpu.memory_space<semaphore_mem>>) attributes {dimension_semantics = [#tpu.dimension_semantics<core_parallel>, #tpu.dimension_semantics<subcore_parallel>], iteration_bounds = array<i64: 2, 16>, scalar_prefetch = 0 : i64, scratch_operands = 7 : i64, tpu.core_type = #tpu.core_type<sc_vector_subcore>, window_params = [{transform_indices = #map}, {transform_indices = #map}, {transform_indices = #map}]} {
    %mul3A = arith.constant 2 : i32
    %mul3A_0 = arith.muli %arg1, %mul3A : i32
    %add3A = arith.addi %mul3A_0, %arg0 : i32
    %mul3A_1 = arith.constant 25600 : i32
    %mul3A_2 = arith.muli %add3A, %mul3A_1 : i32
    %jit3A = arith.constant 128 : i32
    %div3A = arith.divsi %mul3A_2, %jit3A : i32
    %sign3A = arith.constant 0 : i32
    %sign3A_3 = arith.cmpi sgt, %mul3A_2, %sign3A : i32
    %sign3A_4 = arith.extui %sign3A_3 : i1 to i32
    %sign3A_5 = arith.constant 0 : i32
    %sign3A_6 = arith.cmpi slt, %mul3A_2, %sign3A_5 : i32
    %sign3A_7 = arith.extui %sign3A_6 : i1 to i32
    %sign3A_8 = arith.subi %sign3A_4, %sign3A_7 : i32
    %sign3A_9 = arith.constant 0 : i32
    %sign3A_10 = arith.cmpi sgt, %jit3A, %sign3A_9 : i32
    %sign3A_11 = arith.extui %sign3A_10 : i1 to i32
    %sign3A_12 = arith.constant 0 : i32
    %sign3A_13 = arith.cmpi slt, %jit3A, %sign3A_12 : i32
    %sign3A_14 = arith.extui %sign3A_13 : i1 to i32
    %sign3A_15 = arith.subi %sign3A_11, %sign3A_14 : i32
    %ne3A = arith.cmpi ne, %sign3A_8, %sign3A_15 : i32
    %rem3A = arith.remsi %mul3A_2, %jit3A : i32
    %ne3A_16 = arith.constant 0 : i32
    %ne3A_17 = arith.cmpi ne, %rem3A, %ne3A_16 : i32
    %and3A = arith.andi %ne3A, %ne3A_17 : i1
    %sub3A = arith.constant 1 : i32
    %sub3A_18 = arith.subi %div3A, %sub3A : i32
    %select_n3A = arith.select %and3A, %sub3A_18, %div3A : i32
    %multiple_of3A = tpu.assume_multiple %select_n3A, 8 : i32
    "tpu.region"() ({
      %run_scoped3A = tpu.sem_alloc : memref<!tpu.dma_semaphore, #tpu.memory_space<semaphore_mem>>
      %dma_start3A_123 = arith.constant 0 : i32
      %dma_start3A_124 = tpu.memref_slice %arg3[%multiple_of3A, %dma_start3A_123] : memref<6400x128xi32, #tpu.memory_space<hbm>> -> memref<200x128xi32, #tpu.memory_space<hbm>>
      %dma_start3A_125 = arith.constant 0 : i32
      %dma_start3A_126 = tpu.memref_slice %arg3[%multiple_of3A, %dma_start3A_125] : memref<6400x128xi32, #tpu.memory_space<hbm>> -> memref<200x128xi32, #tpu.memory_space<hbm>>
      tpu.enqueue_dma source(%dma_start3A_126 : memref<200x128xi32, #tpu.memory_space<hbm>>) target(%arg5 : memref<200x128xi32, #tpu.memory_space<vmem>>) target_semaphore(%run_scoped3A : memref<!tpu.dma_semaphore, #tpu.memory_space<semaphore_mem>>)
      %dma_wait3A_127 = arith.constant 0 : i32
      %dma_wait3A_128 = tpu.memref_slice %arg3[%multiple_of3A, %dma_wait3A_127] : memref<6400x128xi32, #tpu.memory_space<hbm>> -> memref<200x128xi32, #tpu.memory_space<hbm>>
      %dma_wait3A_129 = arith.constant 0 : i32
      %dma_wait3A_130 = tpu.memref_slice %arg3[%multiple_of3A, %dma_wait3A_129] : memref<6400x128xi32, #tpu.memory_space<hbm>> -> memref<200x128xi32, #tpu.memory_space<hbm>>
      tpu.wait_dma2 semaphore(%run_scoped3A : memref<!tpu.dma_semaphore, #tpu.memory_space<semaphore_mem>>) src(%dma_wait3A_130 : memref<200x128xi32, #tpu.memory_space<hbm>>) dst(%arg5 : memref<200x128xi32, #tpu.memory_space<vmem>>)
      tpu.yield
    }) : () -> ()
    %dma_start3A = arith.constant 0 : i32
    %dma_start3A_19 = arith.constant 0 : i32
    %dma_start3A_20 = arith.constant 0 : i32
    %dma_start3A_21 = tpu.memref_slice %arg6[%dma_start3A_19, %dma_start3A_20] : memref<256x128xf32, #tpu.memory_space<vmem>> -> memref<128x128xf32, #tpu.memory_space<vmem>>
    %dma_start3A_22 = arith.constant 0 : i32
    %dma_start3A_23 = tpu.memref_slice %arg5[%dma_start3A, %dma_start3A_22] : memref<200x128xi32, #tpu.memory_space<vmem>> -> memref<1x128xi32, #tpu.memory_space<vmem>>
    %dma_start3A_24 = tpu.memref_squeeze %dma_start3A_23 : memref<1x128xi32, #tpu.memory_space<vmem>> -> memref<128xi32, #tpu.memory_space<vmem>>
    %dma_start3A_25 = arith.constant 0 : i32
    %dma_start3A_26 = arith.constant 0 : i32
    %dma_start3A_27 = tpu.memref_slice %arg2[%dma_start3A_25, %dma_start3A_26] : memref<500000x128xf32, #tpu.memory_space<hbm>> -> memref<500000x128xf32, #tpu.memory_space<hbm>>
    tpu.enqueue_indirect_dma source(%dma_start3A_27 : memref<500000x128xf32, #tpu.memory_space<hbm>>) target(%dma_start3A_21 : memref<128x128xf32, #tpu.memory_space<vmem>>) offsets(%dma_start3A_24 : memref<128xi32, #tpu.memory_space<vmem>>) semaphore(%arg8 : memref<!tpu.dma_semaphore, #tpu.memory_space<semaphore_mem>>)
    %dma_start3A_28 = arith.constant 1 : i32
    %dma_start3A_29 = arith.constant 128 : i32
    %dma_start3A_30 = arith.constant 0 : i32
    %dma_start3A_31 = tpu.memref_slice %arg6[%dma_start3A_29, %dma_start3A_30] : memref<256x128xf32, #tpu.memory_space<vmem>> -> memref<128x128xf32, #tpu.memory_space<vmem>>
    %dma_start3A_32 = arith.constant 0 : i32
    %dma_start3A_33 = tpu.memref_slice %arg5[%dma_start3A_28, %dma_start3A_32] : memref<200x128xi32, #tpu.memory_space<vmem>> -> memref<1x128xi32, #tpu.memory_space<vmem>>
    %dma_start3A_34 = tpu.memref_squeeze %dma_start3A_33 : memref<1x128xi32, #tpu.memory_space<vmem>> -> memref<128xi32, #tpu.memory_space<vmem>>
    %dma_start3A_35 = arith.constant 0 : i32
    %dma_start3A_36 = arith.constant 0 : i32
    %dma_start3A_37 = tpu.memref_slice %arg2[%dma_start3A_35, %dma_start3A_36] : memref<500000x128xf32, #tpu.memory_space<hbm>> -> memref<500000x128xf32, #tpu.memory_space<hbm>>
    tpu.enqueue_indirect_dma source(%dma_start3A_37 : memref<500000x128xf32, #tpu.memory_space<hbm>>) target(%dma_start3A_31 : memref<128x128xf32, #tpu.memory_space<vmem>>) offsets(%dma_start3A_34 : memref<128xi32, #tpu.memory_space<vmem>>) semaphore(%arg8 : memref<!tpu.dma_semaphore, #tpu.memory_space<semaphore_mem>>)
    %dma_start3A_38 = arith.constant 2 : i32
    %dma_start3A_39 = arith.constant 0 : i32
    %dma_start3A_40 = arith.constant 0 : i32
    %dma_start3A_41 = tpu.memref_slice %arg7[%dma_start3A_39, %dma_start3A_40] : memref<256x128xf32, #tpu.memory_space<vmem>> -> memref<128x128xf32, #tpu.memory_space<vmem>>
    %dma_start3A_42 = arith.constant 0 : i32
    %dma_start3A_43 = tpu.memref_slice %arg5[%dma_start3A_38, %dma_start3A_42] : memref<200x128xi32, #tpu.memory_space<vmem>> -> memref<1x128xi32, #tpu.memory_space<vmem>>
    %dma_start3A_44 = tpu.memref_squeeze %dma_start3A_43 : memref<1x128xi32, #tpu.memory_space<vmem>> -> memref<128xi32, #tpu.memory_space<vmem>>
    %dma_start3A_45 = arith.constant 0 : i32
    %dma_start3A_46 = arith.constant 0 : i32
    %dma_start3A_47 = tpu.memref_slice %arg2[%dma_start3A_45, %dma_start3A_46] : memref<500000x128xf32, #tpu.memory_space<hbm>> -> memref<500000x128xf32, #tpu.memory_space<hbm>>
    tpu.enqueue_indirect_dma source(%dma_start3A_47 : memref<500000x128xf32, #tpu.memory_space<hbm>>) target(%dma_start3A_41 : memref<128x128xf32, #tpu.memory_space<vmem>>) offsets(%dma_start3A_44 : memref<128xi32, #tpu.memory_space<vmem>>) semaphore(%arg9 : memref<!tpu.dma_semaphore, #tpu.memory_space<semaphore_mem>>)
    %dma_start3A_48 = arith.constant 3 : i32
    %dma_start3A_49 = arith.constant 128 : i32
    %dma_start3A_50 = arith.constant 0 : i32
    %dma_start3A_51 = tpu.memref_slice %arg7[%dma_start3A_49, %dma_start3A_50] : memref<256x128xf32, #tpu.memory_space<vmem>> -> memref<128x128xf32, #tpu.memory_space<vmem>>
    %dma_start3A_52 = arith.constant 0 : i32
    %dma_start3A_53 = tpu.memref_slice %arg5[%dma_start3A_48, %dma_start3A_52] : memref<200x128xi32, #tpu.memory_space<vmem>> -> memref<1x128xi32, #tpu.memory_space<vmem>>
    %dma_start3A_54 = tpu.memref_squeeze %dma_start3A_53 : memref<1x128xi32, #tpu.memory_space<vmem>> -> memref<128xi32, #tpu.memory_space<vmem>>
    %dma_start3A_55 = arith.constant 0 : i32
    %dma_start3A_56 = arith.constant 0 : i32
    %dma_start3A_57 = tpu.memref_slice %arg2[%dma_start3A_55, %dma_start3A_56] : memref<500000x128xf32, #tpu.memory_space<hbm>> -> memref<500000x128xf32, #tpu.memory_space<hbm>>
    tpu.enqueue_indirect_dma source(%dma_start3A_57 : memref<500000x128xf32, #tpu.memory_space<hbm>>) target(%dma_start3A_51 : memref<128x128xf32, #tpu.memory_space<vmem>>) offsets(%dma_start3A_54 : memref<128xi32, #tpu.memory_space<vmem>>) semaphore(%arg9 : memref<!tpu.dma_semaphore, #tpu.memory_space<semaphore_mem>>)
    %scan3A = arith.constant 0 : i32
    %scan3A_58 = arith.constant 0 : i32
    %scan3A_59 = arith.constant 49 : i32
    %scan3A_60 = arith.addi %scan3A_58, %scan3A_59 : i32
    %scan3A_61 = arith.constant 1 : i32
    %scan3A_62 = scf.for %scan3A_123 = %scan3A_58 to %scan3A_60 step %scan3A_61 iter_args(%scan3A_124 = %scan3A) -> (i32)  : i32 {
      %mul3A_125 = arith.constant 2 : i32
      %mul3A_126 = arith.muli %mul3A_125, %scan3A_123 : i32
      %dma_wait3A_127 = arith.constant 0 : i32
      %dma_wait3A_128 = arith.constant 0 : i32
      %dma_wait3A_129 = arith.constant 0 : i32
      %dma_wait3A_130 = tpu.memref_slice %arg6[%dma_wait3A_128, %dma_wait3A_129] : memref<256x128xf32, #tpu.memory_space<vmem>> -> memref<128x128xf32, #tpu.memory_space<vmem>>
      %dma_wait3A_131 = arith.constant 0 : i32
      %dma_wait3A_132 = tpu.memref_slice %arg5[%dma_wait3A_127, %dma_wait3A_131] : memref<200x128xi32, #tpu.memory_space<vmem>> -> memref<1x128xi32, #tpu.memory_space<vmem>>
      %dma_wait3A_133 = tpu.memref_squeeze %dma_wait3A_132 : memref<1x128xi32, #tpu.memory_space<vmem>> -> memref<128xi32, #tpu.memory_space<vmem>>
      %dma_wait3A_134 = arith.constant 0 : i32
      %dma_wait3A_135 = arith.constant 0 : i32
      %dma_wait3A_136 = tpu.memref_slice %arg2[%dma_wait3A_134, %dma_wait3A_135] : memref<500000x128xf32, #tpu.memory_space<hbm>> -> memref<500000x128xf32, #tpu.memory_space<hbm>>
      tpu.wait_indirect_dma semaphore(%arg8 : memref<!tpu.dma_semaphore, #tpu.memory_space<semaphore_mem>>) src(%dma_wait3A_136 : memref<500000x128xf32, #tpu.memory_space<hbm>>) dst(%dma_wait3A_130 : memref<128x128xf32, #tpu.memory_space<vmem>>)
      %dma_wait3A_137 = arith.constant 1 : i32
      %dma_wait3A_138 = arith.constant 128 : i32
      %dma_wait3A_139 = arith.constant 0 : i32
      %dma_wait3A_140 = tpu.memref_slice %arg6[%dma_wait3A_138, %dma_wait3A_139] : memref<256x128xf32, #tpu.memory_space<vmem>> -> memref<128x128xf32, #tpu.memory_space<vmem>>
      %dma_wait3A_141 = arith.constant 0 : i32
      %dma_wait3A_142 = tpu.memref_slice %arg5[%dma_wait3A_137, %dma_wait3A_141] : memref<200x128xi32, #tpu.memory_space<vmem>> -> memref<1x128xi32, #tpu.memory_space<vmem>>
      %dma_wait3A_143 = tpu.memref_squeeze %dma_wait3A_142 : memref<1x128xi32, #tpu.memory_space<vmem>> -> memref<128xi32, #tpu.memory_space<vmem>>
      %dma_wait3A_144 = arith.constant 0 : i32
      %dma_wait3A_145 = arith.constant 0 : i32
      %dma_wait3A_146 = tpu.memref_slice %arg2[%dma_wait3A_144, %dma_wait3A_145] : memref<500000x128xf32, #tpu.memory_space<hbm>> -> memref<500000x128xf32, #tpu.memory_space<hbm>>
      tpu.wait_indirect_dma semaphore(%arg8 : memref<!tpu.dma_semaphore, #tpu.memory_space<semaphore_mem>>) src(%dma_wait3A_146 : memref<500000x128xf32, #tpu.memory_space<hbm>>) dst(%dma_wait3A_140 : memref<128x128xf32, #tpu.memory_space<vmem>>)
      %mul3A_147 = arith.constant 256 : i32
      %mul3A_148 = arith.muli %mul3A_126, %mul3A_147 : i32
      %add3A_149 = arith.addi %mul3A_2, %mul3A_148 : i32
      %dma_start3A_150 = arith.constant 0 : i32
      %dma_start3A_151 = tpu.memref_slice %arg4[%add3A_149, %dma_start3A_150] : memref<819200x128xf32, #tpu.memory_space<hbm>> -> memref<256x128xf32, #tpu.memory_space<hbm>>
      %dma_start3A_152 = arith.constant 0 : i32
      %dma_start3A_153 = tpu.memref_slice %arg4[%add3A_149, %dma_start3A_152] : memref<819200x128xf32, #tpu.memory_space<hbm>> -> memref<256x128xf32, #tpu.memory_space<hbm>>
      tpu.enqueue_dma source(%arg6 : memref<256x128xf32, #tpu.memory_space<vmem>>) target(%dma_start3A_153 : memref<256x128xf32, #tpu.memory_space<hbm>>) target_semaphore(%arg10 : memref<!tpu.dma_semaphore, #tpu.memory_space<semaphore_mem>>)
      %dma_wait3A_154 = arith.constant 0 : i32
      %dma_wait3A_155 = arith.constant 0 : i32
      %dma_wait3A_156 = arith.constant 0 : i32
      %dma_wait3A_157 = tpu.memref_slice %arg7[%dma_wait3A_155, %dma_wait3A_156] : memref<256x128xf32, #tpu.memory_space<vmem>> -> memref<128x128xf32, #tpu.memory_space<vmem>>
      %dma_wait3A_158 = arith.constant 0 : i32
      %dma_wait3A_159 = tpu.memref_slice %arg5[%dma_wait3A_154, %dma_wait3A_158] : memref<200x128xi32, #tpu.memory_space<vmem>> -> memref<1x128xi32, #tpu.memory_space<vmem>>
      %dma_wait3A_160 = tpu.memref_squeeze %dma_wait3A_159 : memref<1x128xi32, #tpu.memory_space<vmem>> -> memref<128xi32, #tpu.memory_space<vmem>>
      %dma_wait3A_161 = arith.constant 0 : i32
      %dma_wait3A_162 = arith.constant 0 : i32
      %dma_wait3A_163 = tpu.memref_slice %arg2[%dma_wait3A_161, %dma_wait3A_162] : memref<500000x128xf32, #tpu.memory_space<hbm>> -> memref<500000x128xf32, #tpu.memory_space<hbm>>
      tpu.wait_indirect_dma semaphore(%arg9 : memref<!tpu.dma_semaphore, #tpu.memory_space<semaphore_mem>>) src(%dma_wait3A_163 : memref<500000x128xf32, #tpu.memory_space<hbm>>) dst(%dma_wait3A_157 : memref<128x128xf32, #tpu.memory_space<vmem>>)
      %dma_wait3A_164 = arith.constant 1 : i32
      %dma_wait3A_165 = arith.constant 128 : i32
      %dma_wait3A_166 = arith.constant 0 : i32
      %dma_wait3A_167 = tpu.memref_slice %arg7[%dma_wait3A_165, %dma_wait3A_166] : memref<256x128xf32, #tpu.memory_space<vmem>> -> memref<128x128xf32, #tpu.memory_space<vmem>>
      %dma_wait3A_168 = arith.constant 0 : i32
      %dma_wait3A_169 = tpu.memref_slice %arg5[%dma_wait3A_164, %dma_wait3A_168] : memref<200x128xi32, #tpu.memory_space<vmem>> -> memref<1x128xi32, #tpu.memory_space<vmem>>
      %dma_wait3A_170 = tpu.memref_squeeze %dma_wait3A_169 : memref<1x128xi32, #tpu.memory_space<vmem>> -> memref<128xi32, #tpu.memory_space<vmem>>
      %dma_wait3A_171 = arith.constant 0 : i32
      %dma_wait3A_172 = arith.constant 0 : i32
      %dma_wait3A_173 = tpu.memref_slice %arg2[%dma_wait3A_171, %dma_wait3A_172] : memref<500000x128xf32, #tpu.memory_space<hbm>> -> memref<500000x128xf32, #tpu.memory_space<hbm>>
      tpu.wait_indirect_dma semaphore(%arg9 : memref<!tpu.dma_semaphore, #tpu.memory_space<semaphore_mem>>) src(%dma_wait3A_173 : memref<500000x128xf32, #tpu.memory_space<hbm>>) dst(%dma_wait3A_167 : memref<128x128xf32, #tpu.memory_space<vmem>>)
      %add3A_174 = arith.constant 1 : i32
      %add3A_175 = arith.addi %mul3A_126, %add3A_174 : i32
      %mul3A_176 = arith.constant 256 : i32
      %mul3A_177 = arith.muli %add3A_175, %mul3A_176 : i32
      %add3A_178 = arith.addi %mul3A_2, %mul3A_177 : i32
      %dma_start3A_179 = arith.constant 0 : i32
      %dma_start3A_180 = tpu.memref_slice %arg4[%add3A_178, %dma_start3A_179] : memref<819200x128xf32, #tpu.memory_space<hbm>> -> memref<256x128xf32, #tpu.memory_space<hbm>>
      %dma_start3A_181 = arith.constant 0 : i32
      %dma_start3A_182 = tpu.memref_slice %arg4[%add3A_178, %dma_start3A_181] : memref<819200x128xf32, #tpu.memory_space<hbm>> -> memref<256x128xf32, #tpu.memory_space<hbm>>
      tpu.enqueue_dma source(%arg7 : memref<256x128xf32, #tpu.memory_space<vmem>>) target(%dma_start3A_182 : memref<256x128xf32, #tpu.memory_space<hbm>>) target_semaphore(%arg11 : memref<!tpu.dma_semaphore, #tpu.memory_space<semaphore_mem>>)
      %dma_wait3A_183 = arith.constant 0 : i32
      %dma_wait3A_184 = tpu.memref_slice %arg4[%mul3A_2, %dma_wait3A_183] : memref<819200x128xf32, #tpu.memory_space<hbm>> -> memref<256x128xf32, #tpu.memory_space<hbm>>
      %dma_wait3A_185 = arith.constant 0 : i32
      %dma_wait3A_186 = tpu.memref_slice %arg4[%mul3A_2, %dma_wait3A_185] : memref<819200x128xf32, #tpu.memory_space<hbm>> -> memref<256x128xf32, #tpu.memory_space<hbm>>
      tpu.wait_dma2 semaphore(%arg10 : memref<!tpu.dma_semaphore, #tpu.memory_space<semaphore_mem>>) src(%arg6 : memref<256x128xf32, #tpu.memory_space<vmem>>) dst(%dma_wait3A_186 : memref<256x128xf32, #tpu.memory_space<hbm>>)
      %add3A_187 = arith.constant 2 : i32
      %add3A_188 = arith.addi %mul3A_126, %add3A_187 : i32
      %mul3A_189 = arith.constant 2 : i32
      %mul3A_190 = arith.muli %add3A_188, %mul3A_189 : i32
      %add3A_191 = arith.constant 0 : i32
      %add3A_192 = arith.addi %mul3A_190, %add3A_191 : i32
      %dma_start3A_193 = arith.constant 0 : i32
      %dma_start3A_194 = arith.constant 0 : i32
      %dma_start3A_195 = tpu.memref_slice %arg6[%dma_start3A_193, %dma_start3A_194] : memref<256x128xf32, #tpu.memory_space<vmem>> -> memref<128x128xf32, #tpu.memory_space<vmem>>
      %dma_start3A_196 = arith.constant 0 : i32
      %dma_start3A_197 = tpu.memref_slice %arg5[%add3A_192, %dma_start3A_196] : memref<200x128xi32, #tpu.memory_space<vmem>> -> memref<1x128xi32, #tpu.memory_space<vmem>>
      %dma_start3A_198 = tpu.memref_squeeze %dma_start3A_197 : memref<1x128xi32, #tpu.memory_space<vmem>> -> memref<128xi32, #tpu.memory_space<vmem>>
      %dma_start3A_199 = arith.constant 0 : i32
      %dma_start3A_200 = arith.constant 0 : i32
      %dma_start3A_201 = tpu.memref_slice %arg2[%dma_start3A_199, %dma_start3A_200] : memref<500000x128xf32, #tpu.memory_space<hbm>> -> memref<500000x128xf32, #tpu.memory_space<hbm>>
      tpu.enqueue_indirect_dma source(%dma_start3A_201 : memref<500000x128xf32, #tpu.memory_space<hbm>>) target(%dma_start3A_195 : memref<128x128xf32, #tpu.memory_space<vmem>>) offsets(%dma_start3A_198 : memref<128xi32, #tpu.memory_space<vmem>>) semaphore(%arg8 : memref<!tpu.dma_semaphore, #tpu.memory_space<semaphore_mem>>)
      %mul3A_202 = arith.constant 2 : i32
      %mul3A_203 = arith.muli %add3A_188, %mul3A_202 : i32
      %add3A_204 = arith.constant 1 : i32
      %add3A_205 = arith.addi %mul3A_203, %add3A_204 : i32
      %dma_start3A_206 = arith.constant 128 : i32
      %dma_start3A_207 = arith.constant 0 : i32
      %dma_start3A_208 = tpu.memref_slice %arg6[%dma_start3A_206, %dma_start3A_207] : memref<256x128xf32, #tpu.memory_space<vmem>> -> memref<128x128xf32, #tpu.memory_space<vmem>>
      %dma_start3A_209 = arith.constant 0 : i32
      %dma_start3A_210 = tpu.memref_slice %arg5[%add3A_205, %dma_start3A_209] : memref<200x128xi32, #tpu.memory_space<vmem>> -> memref<1x128xi32, #tpu.memory_space<vmem>>
      %dma_start3A_211 = tpu.memref_squeeze %dma_start3A_210 : memref<1x128xi32, #tpu.memory_space<vmem>> -> memref<128xi32, #tpu.memory_space<vmem>>
      %dma_start3A_212 = arith.constant 0 : i32
      %dma_start3A_213 = arith.constant 0 : i32
      %dma_start3A_214 = tpu.memref_slice %arg2[%dma_start3A_212, %dma_start3A_213] : memref<500000x128xf32, #tpu.memory_space<hbm>> -> memref<500000x128xf32, #tpu.memory_space<hbm>>
      tpu.enqueue_indirect_dma source(%dma_start3A_214 : memref<500000x128xf32, #tpu.memory_space<hbm>>) target(%dma_start3A_208 : memref<128x128xf32, #tpu.memory_space<vmem>>) offsets(%dma_start3A_211 : memref<128xi32, #tpu.memory_space<vmem>>) semaphore(%arg8 : memref<!tpu.dma_semaphore, #tpu.memory_space<semaphore_mem>>)
      %dma_wait3A_215 = arith.constant 0 : i32
      %dma_wait3A_216 = tpu.memref_slice %arg4[%mul3A_2, %dma_wait3A_215] : memref<819200x128xf32, #tpu.memory_space<hbm>> -> memref<256x128xf32, #tpu.memory_space<hbm>>
      %dma_wait3A_217 = arith.constant 0 : i32
      %dma_wait3A_218 = tpu.memref_slice %arg4[%mul3A_2, %dma_wait3A_217] : memref<819200x128xf32, #tpu.memory_space<hbm>> -> memref<256x128xf32, #tpu.memory_space<hbm>>
      tpu.wait_dma2 semaphore(%arg11 : memref<!tpu.dma_semaphore, #tpu.memory_space<semaphore_mem>>) src(%arg7 : memref<256x128xf32, #tpu.memory_space<vmem>>) dst(%dma_wait3A_218 : memref<256x128xf32, #tpu.memory_space<hbm>>)
      %add3A_219 = arith.constant 3 : i32
      %add3A_220 = arith.addi %mul3A_126, %add3A_219 : i32
      %mul3A_221 = arith.constant 2 : i32
      %mul3A_222 = arith.muli %add3A_220, %mul3A_221 : i32
      %add3A_223 = arith.constant 0 : i32
      %add3A_224 = arith.addi %mul3A_222, %add3A_223 : i32
      %dma_start3A_225 = arith.constant 0 : i32
      %dma_start3A_226 = arith.constant 0 : i32
      %dma_start3A_227 = tpu.memref_slice %arg7[%dma_start3A_225, %dma_start3A_226] : memref<256x128xf32, #tpu.memory_space<vmem>> -> memref<128x128xf32, #tpu.memory_space<vmem>>
      %dma_start3A_228 = arith.constant 0 : i32
      %dma_start3A_229 = tpu.memref_slice %arg5[%add3A_224, %dma_start3A_228] : memref<200x128xi32, #tpu.memory_space<vmem>> -> memref<1x128xi32, #tpu.memory_space<vmem>>
      %dma_start3A_230 = tpu.memref_squeeze %dma_start3A_229 : memref<1x128xi32, #tpu.memory_space<vmem>> -> memref<128xi32, #tpu.memory_space<vmem>>
      %dma_start3A_231 = arith.constant 0 : i32
      %dma_start3A_232 = arith.constant 0 : i32
      %dma_start3A_233 = tpu.memref_slice %arg2[%dma_start3A_231, %dma_start3A_232] : memref<500000x128xf32, #tpu.memory_space<hbm>> -> memref<500000x128xf32, #tpu.memory_space<hbm>>
      tpu.enqueue_indirect_dma source(%dma_start3A_233 : memref<500000x128xf32, #tpu.memory_space<hbm>>) target(%dma_start3A_227 : memref<128x128xf32, #tpu.memory_space<vmem>>) offsets(%dma_start3A_230 : memref<128xi32, #tpu.memory_space<vmem>>) semaphore(%arg9 : memref<!tpu.dma_semaphore, #tpu.memory_space<semaphore_mem>>)
      %mul3A_234 = arith.constant 2 : i32
      %mul3A_235 = arith.muli %add3A_220, %mul3A_234 : i32
      %add3A_236 = arith.constant 1 : i32
      %add3A_237 = arith.addi %mul3A_235, %add3A_236 : i32
      %dma_start3A_238 = arith.constant 128 : i32
      %dma_start3A_239 = arith.constant 0 : i32
      %dma_start3A_240 = tpu.memref_slice %arg7[%dma_start3A_238, %dma_start3A_239] : memref<256x128xf32, #tpu.memory_space<vmem>> -> memref<128x128xf32, #tpu.memory_space<vmem>>
      %dma_start3A_241 = arith.constant 0 : i32
      %dma_start3A_242 = tpu.memref_slice %arg5[%add3A_237, %dma_start3A_241] : memref<200x128xi32, #tpu.memory_space<vmem>> -> memref<1x128xi32, #tpu.memory_space<vmem>>
      %dma_start3A_243 = tpu.memref_squeeze %dma_start3A_242 : memref<1x128xi32, #tpu.memory_space<vmem>> -> memref<128xi32, #tpu.memory_space<vmem>>
      %dma_start3A_244 = arith.constant 0 : i32
      %dma_start3A_245 = arith.constant 0 : i32
      %dma_start3A_246 = tpu.memref_slice %arg2[%dma_start3A_244, %dma_start3A_245] : memref<500000x128xf32, #tpu.memory_space<hbm>> -> memref<500000x128xf32, #tpu.memory_space<hbm>>
      tpu.enqueue_indirect_dma source(%dma_start3A_246 : memref<500000x128xf32, #tpu.memory_space<hbm>>) target(%dma_start3A_240 : memref<128x128xf32, #tpu.memory_space<vmem>>) offsets(%dma_start3A_243 : memref<128xi32, #tpu.memory_space<vmem>>) semaphore(%arg9 : memref<!tpu.dma_semaphore, #tpu.memory_space<semaphore_mem>>)
      %scan3A_247 = arith.constant 0 : i32
      scf.yield %scan3A_247 : i32
    }
    %scan3A_63 = arith.constant 49 : i32
    %dma_wait3A = arith.constant 0 : i32
    %dma_wait3A_64 = arith.constant 0 : i32
    %dma_wait3A_65 = arith.constant 0 : i32
    %dma_wait3A_66 = tpu.memref_slice %arg6[%dma_wait3A_64, %dma_wait3A_65] : memref<256x128xf32, #tpu.memory_space<vmem>> -> memref<128x128xf32, #tpu.memory_space<vmem>>
    %dma_wait3A_67 = arith.constant 0 : i32
    %dma_wait3A_68 = tpu.memref_slice %arg5[%dma_wait3A, %dma_wait3A_67] : memref<200x128xi32, #tpu.memory_space<vmem>> -> memref<1x128xi32, #tpu.memory_space<vmem>>
    %dma_wait3A_69 = tpu.memref_squeeze %dma_wait3A_68 : memref<1x128xi32, #tpu.memory_space<vmem>> -> memref<128xi32, #tpu.memory_space<vmem>>
    %dma_wait3A_70 = arith.constant 0 : i32
    %dma_wait3A_71 = arith.constant 0 : i32
    %dma_wait3A_72 = tpu.memref_slice %arg2[%dma_wait3A_70, %dma_wait3A_71] : memref<500000x128xf32, #tpu.memory_space<hbm>> -> memref<500000x128xf32, #tpu.memory_space<hbm>>
    tpu.wait_indirect_dma semaphore(%arg8 : memref<!tpu.dma_semaphore, #tpu.memory_space<semaphore_mem>>) src(%dma_wait3A_72 : memref<500000x128xf32, #tpu.memory_space<hbm>>) dst(%dma_wait3A_66 : memref<128x128xf32, #tpu.memory_space<vmem>>)
    %dma_wait3A_73 = arith.constant 1 : i32
    %dma_wait3A_74 = arith.constant 128 : i32
    %dma_wait3A_75 = arith.constant 0 : i32
    %dma_wait3A_76 = tpu.memref_slice %arg6[%dma_wait3A_74, %dma_wait3A_75] : memref<256x128xf32, #tpu.memory_space<vmem>> -> memref<128x128xf32, #tpu.memory_space<vmem>>
    %dma_wait3A_77 = arith.constant 0 : i32
    %dma_wait3A_78 = tpu.memref_slice %arg5[%dma_wait3A_73, %dma_wait3A_77] : memref<200x128xi32, #tpu.memory_space<vmem>> -> memref<1x128xi32, #tpu.memory_space<vmem>>
    %dma_wait3A_79 = tpu.memref_squeeze %dma_wait3A_78 : memref<1x128xi32, #tpu.memory_space<vmem>> -> memref<128xi32, #tpu.memory_space<vmem>>
    %dma_wait3A_80 = arith.constant 0 : i32
    %dma_wait3A_81 = arith.constant 0 : i32
    %dma_wait3A_82 = tpu.memref_slice %arg2[%dma_wait3A_80, %dma_wait3A_81] : memref<500000x128xf32, #tpu.memory_space<hbm>> -> memref<500000x128xf32, #tpu.memory_space<hbm>>
    tpu.wait_indirect_dma semaphore(%arg8 : memref<!tpu.dma_semaphore, #tpu.memory_space<semaphore_mem>>) src(%dma_wait3A_82 : memref<500000x128xf32, #tpu.memory_space<hbm>>) dst(%dma_wait3A_76 : memref<128x128xf32, #tpu.memory_space<vmem>>)
    %add3A_83 = arith.constant 25088 : i32
    %add3A_84 = arith.addi %mul3A_2, %add3A_83 : i32
    %dma_start3A_85 = arith.constant 0 : i32
    %dma_start3A_86 = tpu.memref_slice %arg4[%add3A_84, %dma_start3A_85] : memref<819200x128xf32, #tpu.memory_space<hbm>> -> memref<256x128xf32, #tpu.memory_space<hbm>>
    %dma_start3A_87 = arith.constant 0 : i32
    %dma_start3A_88 = tpu.memref_slice %arg4[%add3A_84, %dma_start3A_87] : memref<819200x128xf32, #tpu.memory_space<hbm>> -> memref<256x128xf32, #tpu.memory_space<hbm>>
    tpu.enqueue_dma source(%arg6 : memref<256x128xf32, #tpu.memory_space<vmem>>) target(%dma_start3A_88 : memref<256x128xf32, #tpu.memory_space<hbm>>) target_semaphore(%arg10 : memref<!tpu.dma_semaphore, #tpu.memory_space<semaphore_mem>>)
    %dma_wait3A_89 = arith.constant 0 : i32
    %dma_wait3A_90 = arith.constant 0 : i32
    %dma_wait3A_91 = arith.constant 0 : i32
    %dma_wait3A_92 = tpu.memref_slice %arg7[%dma_wait3A_90, %dma_wait3A_91] : memref<256x128xf32, #tpu.memory_space<vmem>> -> memref<128x128xf32, #tpu.memory_space<vmem>>
    %dma_wait3A_93 = arith.constant 0 : i32
    %dma_wait3A_94 = tpu.memref_slice %arg5[%dma_wait3A_89, %dma_wait3A_93] : memref<200x128xi32, #tpu.memory_space<vmem>> -> memref<1x128xi32, #tpu.memory_space<vmem>>
    %dma_wait3A_95 = tpu.memref_squeeze %dma_wait3A_94 : memref<1x128xi32, #tpu.memory_space<vmem>> -> memref<128xi32, #tpu.memory_space<vmem>>
    %dma_wait3A_96 = arith.constant 0 : i32
    %dma_wait3A_97 = arith.constant 0 : i32
    %dma_wait3A_98 = tpu.memref_slice %arg2[%dma_wait3A_96, %dma_wait3A_97] : memref<500000x128xf32, #tpu.memory_space<hbm>> -> memref<500000x128xf32, #tpu.memory_space<hbm>>
    tpu.wait_indirect_dma semaphore(%arg9 : memref<!tpu.dma_semaphore, #tpu.memory_space<semaphore_mem>>) src(%dma_wait3A_98 : memref<500000x128xf32, #tpu.memory_space<hbm>>) dst(%dma_wait3A_92 : memref<128x128xf32, #tpu.memory_space<vmem>>)
    %dma_wait3A_99 = arith.constant 1 : i32
    %dma_wait3A_100 = arith.constant 128 : i32
    %dma_wait3A_101 = arith.constant 0 : i32
    %dma_wait3A_102 = tpu.memref_slice %arg7[%dma_wait3A_100, %dma_wait3A_101] : memref<256x128xf32, #tpu.memory_space<vmem>> -> memref<128x128xf32, #tpu.memory_space<vmem>>
    %dma_wait3A_103 = arith.constant 0 : i32
    %dma_wait3A_104 = tpu.memref_slice %arg5[%dma_wait3A_99, %dma_wait3A_103] : memref<200x128xi32, #tpu.memory_space<vmem>> -> memref<1x128xi32, #tpu.memory_space<vmem>>
    %dma_wait3A_105 = tpu.memref_squeeze %dma_wait3A_104 : memref<1x128xi32, #tpu.memory_space<vmem>> -> memref<128xi32, #tpu.memory_space<vmem>>
    %dma_wait3A_106 = arith.constant 0 : i32
    %dma_wait3A_107 = arith.constant 0 : i32
    %dma_wait3A_108 = tpu.memref_slice %arg2[%dma_wait3A_106, %dma_wait3A_107] : memref<500000x128xf32, #tpu.memory_space<hbm>> -> memref<500000x128xf32, #tpu.memory_space<hbm>>
    tpu.wait_indirect_dma semaphore(%arg9 : memref<!tpu.dma_semaphore, #tpu.memory_space<semaphore_mem>>) src(%dma_wait3A_108 : memref<500000x128xf32, #tpu.memory_space<hbm>>) dst(%dma_wait3A_102 : memref<128x128xf32, #tpu.memory_space<vmem>>)
    %add3A_109 = arith.constant 25344 : i32
    %add3A_110 = arith.addi %mul3A_2, %add3A_109 : i32
    %dma_start3A_111 = arith.constant 0 : i32
    %dma_start3A_112 = tpu.memref_slice %arg4[%add3A_110, %dma_start3A_111] : memref<819200x128xf32, #tpu.memory_space<hbm>> -> memref<256x128xf32, #tpu.memory_space<hbm>>
    %dma_start3A_113 = arith.constant 0 : i32
    %dma_start3A_114 = tpu.memref_slice %arg4[%add3A_110, %dma_start3A_113] : memref<819200x128xf32, #tpu.memory_space<hbm>> -> memref<256x128xf32, #tpu.memory_space<hbm>>
    tpu.enqueue_dma source(%arg7 : memref<256x128xf32, #tpu.memory_space<vmem>>) target(%dma_start3A_114 : memref<256x128xf32, #tpu.memory_space<hbm>>) target_semaphore(%arg11 : memref<!tpu.dma_semaphore, #tpu.memory_space<semaphore_mem>>)
    %dma_wait3A_115 = arith.constant 0 : i32
    %dma_wait3A_116 = tpu.memref_slice %arg4[%mul3A_2, %dma_wait3A_115] : memref<819200x128xf32, #tpu.memory_space<hbm>> -> memref<256x128xf32, #tpu.memory_space<hbm>>
    %dma_wait3A_117 = arith.constant 0 : i32
    %dma_wait3A_118 = tpu.memref_slice %arg4[%mul3A_2, %dma_wait3A_117] : memref<819200x128xf32, #tpu.memory_space<hbm>> -> memref<256x128xf32, #tpu.memory_space<hbm>>
    tpu.wait_dma2 semaphore(%arg10 : memref<!tpu.dma_semaphore, #tpu.memory_space<semaphore_mem>>) src(%arg6 : memref<256x128xf32, #tpu.memory_space<vmem>>) dst(%dma_wait3A_118 : memref<256x128xf32, #tpu.memory_space<hbm>>)
    %dma_wait3A_119 = arith.constant 0 : i32
    %dma_wait3A_120 = tpu.memref_slice %arg4[%mul3A_2, %dma_wait3A_119] : memref<819200x128xf32, #tpu.memory_space<hbm>> -> memref<256x128xf32, #tpu.memory_space<hbm>>
    %dma_wait3A_121 = arith.constant 0 : i32
    %dma_wait3A_122 = tpu.memref_slice %arg4[%mul3A_2, %dma_wait3A_121] : memref<819200x128xf32, #tpu.memory_space<hbm>> -> memref<256x128xf32, #tpu.memory_space<hbm>>
    tpu.wait_dma2 semaphore(%arg11 : memref<!tpu.dma_semaphore, #tpu.memory_space<semaphore_mem>>) src(%arg7 : memref<256x128xf32, #tpu.memory_space<vmem>>) dst(%dma_wait3A_122 : memref<256x128xf32, #tpu.memory_space<hbm>>)
    return
  }
}

module attributes {stable_mosaic.version = 14 : i64} {
  func.func @_router_body(%arg0: i32, %arg1: memref<2048x128xf32, #tpu.memory_space<vmem>>, %arg2: memref<2048x1xi32, #tpu.memory_space<vmem>>, %arg3: memref<64x64xf32, #tpu.memory_space<vmem>>, %arg4: memref<2048x64xf32, #tpu.memory_space<vmem>>, %arg5: memref<2048x64xf32, #tpu.memory_space<vmem>>) attributes {dimension_semantics = [#tpu.dimension_semantics<arbitrary>], iteration_bounds = array<i64: 400>, scalar_prefetch = 0 : i64, scratch_operands = 0 : i64, tpu.core_type = #tpu.core_type<tc>, window_params = [{transform_indices = @transform_0, window_bounds = array<i64: 2048, 128>}, {transform_indices = @transform_1, window_bounds = array<i64: 2048, 1>}, {pipeline_mode = #tpu.pipeline_mode<synchronous>, transform_indices = @transform_2, window_bounds = array<i64: 64, 64>}, {transform_indices = @transform_3, window_bounds = array<i64: 2048, 64>}, {transform_indices = @transform_4, window_bounds = array<i64: 2048, 64>}]} {
    %get3A = arith.constant 0 : index
    %get3A_0 = arith.constant 0 : index
    %get3A_1 = vector.load %arg1[%get3A, %get3A_0] : memref<2048x128xf32, #tpu.memory_space<vmem>>, vector<2048x128xf32>
    %get3A_2 = arith.constant 0 : index
    %get3A_3 = arith.constant 0 : index
    %get3A_4 = vector.load %arg2[%get3A_2, %get3A_3] : memref<2048x1xi32, #tpu.memory_space<vmem>>, vector<2048x1xi32>
    %and3A = arith.constant 1 : i32
    %and3A_5 = vector.broadcast %and3A : i32 to vector<2048x1xi32>
    %and3A_6 = arith.andi %get3A_4, %and3A_5 : vector<2048x1xi32>
    %eq3A = arith.constant 1 : i32
    %eq3A_7 = vector.broadcast %eq3A : i32 to vector<2048x1xi32>
    %eq3A_8 = arith.cmpi eq, %and3A_6, %eq3A_7 : vector<2048x1xi32>
    %slice3A = vector.extract_strided_slice %get3A_1 {offsets = [0, 64], sizes = [2048, 64], strides = [1, 1]} : vector<2048x128xf32> to vector<2048x64xf32>
    %slice3A_9 = vector.extract_strided_slice %get3A_1 {offsets = [0, 0], sizes = [2048, 64], strides = [1, 1]} : vector<2048x128xf32> to vector<2048x64xf32>
    %broadcast_in_dim3A = vector.shape_cast %eq3A_8 : vector<2048x1xi1> to vector<2048x1xi1>
    %broadcast_in_dim3A_10 = vector.broadcast %broadcast_in_dim3A : vector<2048x1xi1> to vector<2048x64xi1>
    %select_n3A = arith.select %broadcast_in_dim3A_10, %slice3A, %slice3A_9 : vector<2048x64xi1>, vector<2048x64xf32>
    %swap3A = arith.constant 0 : index
    %swap3A_11 = arith.constant 0 : index
    %swap3A_12 = vector.load %arg4[%swap3A, %swap3A_11] : memref<2048x64xf32, #tpu.memory_space<vmem>>, vector<2048x64xf32>
    tpu.vector_store %arg4[%swap3A, %swap3A_11], %select_n3A {strides = array<i32>} : memref<2048x64xf32, #tpu.memory_space<vmem>>, vector<2048x64xf32>,
    %get3A_13 = arith.constant 0 : index
    %get3A_14 = arith.constant 0 : index
    %get3A_15 = vector.load %arg3[%get3A_13, %get3A_14] : memref<64x64xf32, #tpu.memory_space<vmem>>, vector<64x64xf32>
    %dot_general3A = arith.constant dense<0.000000e+00> : vector<2048x64xf32>
    %dot_general3A_16 = tpu.matmul %select_n3A, %get3A_15, %dot_general3A {dimension_numbers = #tpu.dot_dimension_numbers<[1], [1], [0], [0], [0, 0, 1, 0], [], []>, transpose_lhs_hint = false} : vector<2048x64xf32>, vector<64x64xf32>, vector<2048x64xf32> -> vector<2048x64xf32>
    %swap3A_17 = arith.constant 0 : index
    %swap3A_18 = arith.constant 0 : index
    %swap3A_19 = vector.load %arg5[%swap3A_17, %swap3A_18] : memref<2048x64xf32, #tpu.memory_space<vmem>>, vector<2048x64xf32>
    tpu.vector_store %arg5[%swap3A_17, %swap3A_18], %dot_general3A_16 {strides = array<i32>} : memref<2048x64xf32, #tpu.memory_space<vmem>>, vector<2048x64xf32>,
    return
  }
  func.func @transform_0(%arg0: i32) -> (i32, i32) {
    %c0_i32 = arith.constant 0 : i32
    %c0_i32_0 = arith.constant 0 : i32
    return %arg0, %c0_i32 : i32, i32
  }
  func.func @transform_1(%arg0: i32) -> (i32, i32) {
    %c0_i32 = arith.constant 0 : i32
    %c0_i32_0 = arith.constant 0 : i32
    return %arg0, %c0_i32 : i32, i32
  }
  func.func @transform_2(%arg0: i32) -> (i32, i32) {
    %c0_i32 = arith.constant 0 : i32
    %c0_i32_0 = arith.constant 0 : i32
    %c0_i32_1 = arith.constant 0 : i32
    return %c0_i32, %c0_i32_0 : i32, i32
  }
  func.func @transform_3(%arg0: i32) -> (i32, i32) {
    %c0_i32 = arith.constant 0 : i32
    %c0_i32_0 = arith.constant 0 : i32
    return %arg0, %c0_i32 : i32, i32
  }
  func.func @transform_4(%arg0: i32) -> (i32, i32) {
    %c0_i32 = arith.constant 0 : i32
    %c0_i32_0 = arith.constant 0 : i32
    return %arg0, %c0_i32 : i32, i32
  }
}

</mosaic_0001>

<sc_bundles>
// kernel: kernel.4.cloned.1.call-start
scs
__scs_entry_jumppad:
0x0: {  	(pc) =	sbr.rel $0x88, $3  }
0x1: {  	(tag) =	ssettag $0x0;
	lr =	simm.s32 $0x1  }
0x2: {  	[smem:$0x3F9E] =	sst lr;
	_ =	strace $0xD0000000  }
0x3: {  	_ = 	snop  }
0x4: {  	_ = 	snop  }
0x5: {  	_ = 	snop  }
0x6: {  	_ = 	snop  }
0x7: {  	_ = 	snop  }
__scs_overlays_trampoline_lowered:
0x8: {  	[smem:$0x3FAD] =	sst s0  }
0x9: {  	[smem:$0x3FAE] =	sst s1  }
0xa: {  	[smem:$0x3FAF] =	sst s2  }
0xb: {  	[smem:$0x3FB0] =	sst s3  }
0xc: {  	[smem:$0x3FB1] =	sst s4  }
0xd: {  	[smem:$0x3FB2] =	sst s5  }
0xe: {  	[smem:$0x3FB3] =	sst s6  }
0xf: {  	[smem:$0x3FB4] =	sst s7  }
0x10: {  	[smem:$0x3FB5] =	sst s8  }
0x11: {  	[smem:$0x3FB6] =	sst s9;
	s0 =	simm.s32 @!p0 $0x0  }
0x12: {  	s1 =	sld [smem:$0x3F9C];
	s0 =	simm.s32 @p0 $0x1  }
0x13: {  	[smem:$0x3FB7] =	sst s0;
	s0 =	simm.s32 @!p1 $0x0  }
0x14: {  	s2 =	sld [smem:$0x3F9B];
	s0 =	simm.s32 @p1 $0x1  }
0x15: {  	[smem:$0x3FB8] =	sst s0;
	s0 =	simm.s32 @!p2 $0x0  }
0x16: {  	s3 =	sld [smem:$0x3FDB];
	s0 =	simm.s32 @p2 $0x1  }
0x17: {  	s4 =	simm.s32 $0x1BF5;
	[smem:$0x3FBA] =	sst s0  }
0x18: {  	s0 =	sld [smem:$0x3F9D];
	_ =	swait.ge [sflag:s4], $0x0  }
0x19: {  	s7 =	sld [smem:$0x3F9E]  }
0x1a: {  	s8 =	sadd.s32 $0xFFFFE003, lr  }
0x1b: {  	s9 =	sadd.s32 $0xFFFFFEF7, lr;
	s5 =	simm.s32 $0xFFFFFFFF;
	p2 =	slt.u32 s8, $0xFFFFF086  }
0x1c: {  	p1 =	slt.u32 s9, $0xF7A;
	s5 =	simm.s32 @!p2 $0x0  }
0x1d: {  	s5 =	simm.s32 @p1 $0x1;
	p0 =	seq.s32 s7, s2  }
0x1e: {  	s7 =	smul.u32 @!p0 $0xF7A, s2;
	p2 =	seq.s32 @!p0 s5, $0x0  }
0x1f: {  	s9 =	smul.u32 $0xF7A, s1;
	s8 =	simm.s32 @!p0 $0x1BF5;
	p2 =	por !p2, p0  }
0x20: {  	[sflag:s8] =	ssyncset.s32 @!p0 $0xFFFFF086;
	s6 =	sadd.s32 @!p0 s3, s7;
	s7 =	simm.s32 @!p0 $0x108  }
0x21: {  	s3 =	sadd.s32 s3, s9;
	s6 =	sadd.s32 @!p0 $0x88, s6;
	s7 =	simm.s32 @p2 $0x1082  }
0x22: {  	[simem:s7], [sflag:s8] =	dma.local @!p0 [hbm:s6], $0xF7A  }
0x23: {  	s9 =	sor.u32 $0xD0000000, s2;
	s6 =	simm.s32 $0x108;
	_ =	swait.ge @!p0 [sflag:s8], $0x0  }
0x24: {  	s3 =	sadd.s32 $0x88, s3;
	s6 =	simm.s32 @!p1 $0x1082;
	[sflag:s4] =	ssyncset.s32 $0xFFFFF086  }
0x25: {  	[simem:s6], [sflag:s4] =	dma.local [hbm:s3], $0xF7A  }
0x26: {  	[smem:$0x3F9E] =	sst s1;
	(tag) =	ssettag s2;
	_ =	strace s9  }
0x27: {  	s1 =	sld [smem:$0x3FAE]  }
0x28: {  	s2 =	sld [smem:$0x3FAF]  }
0x29: {  	s4 =	sld [smem:$0x3FB1]  }
0x2a: {  	p0 =	seq.s32 s5, $0x0;
	s5 =	sld [smem:$0x3FB2]  }
0x2b: {  	s6 =	sld [smem:$0x3FB3]  }
0x2c: {  	s7 =	sld [smem:$0x3FB4]  }
0x2d: {  	s3 =	simm.s32 $0x108;
	s8 =	sld [smem:$0x3FB5]  }
0x2e: {  	s3 =	simm.s32 @!p0 $0x1082;
	s9 =	sld [smem:$0x3FB6]  }
0x2f: {  	lr =	sadd.s32 s0, s3;
	s0 =	sld [smem:$0x3FAD]  }
0x30: {  	s3 =	sld [smem:$0x3FB0]  }
0x31: {  	[smem:$0x3FB9] =	sst s10  }
0x32: {  	s10 =	sld [smem:$0x3FB7];
	_ =	sdelay $0x3  }
0x33: {  	p0 =	seq.s32 s10, $0x1;
	s10 =	sld [smem:$0x3FB9];
	_ =	sdelay $0x3  }
0x34: {  	[smem:$0x3FB9] =	sst s10  }
0x35: {  	s10 =	sld [smem:$0x3FB8];
	_ =	sdelay $0x3  }
0x36: {  	p1 =	seq.s32 s10, $0x1;
	s10 =	sld [smem:$0x3FB9];
	_ =	sdelay $0x3  }
0x37: {  	[smem:$0x3FB9] =	sst s10  }
0x38: {  	s10 =	sld [smem:$0x3FBA]  }
0x39: {  	_ = 	snop;
	(pc) =	sbr.ind lr, $3  }
0x3a: {  	_ = 	snop  }
0x3b: {  	_ = 	snop  }
0x3c: {  	p2 =	seq.s32 s10, $0x1;
	s10 =	sld [smem:$0x3FB9]  }
0x3d: {  	_ =	shalt  }
0x3e: {  	_ =	shalt  }
0x3f: {  	_ =	shalt  }
0x40: {  	_ =	shalt  }
0x41: {  	_ =	shalt  }
0x42: {  	_ =	shalt  }
0x43: {  	_ =	shalt  }
0x44: {  	_ =	shalt  }
0x45: {  	_ =	shalt  }
0x46: {  	_ =	shalt  }
0x47: {  	_ =	shalt  }
0x48: {  	_ =	shalt  }
0x49: {  	_ =	shalt  }
0x4a: {  	_ =	shalt  }
0x4b: {  	_ =	shalt  }
0x4c: {  	_ =	shalt  }
0x4d: {  	_ =	shalt  }
0x4e: {  	_ =	shalt  }
0x4f: {  	_ =	shalt  }
0x50: {  	_ =	shalt  }
0x51: {  	_ =	shalt  }
0x52: {  	_ =	shalt  }
0x53: {  	_ =	shalt  }
0x54: {  	_ =	shalt  }
0x55: {  	_ =	shalt  }
0x56: {  	_ =	shalt  }
0x57: {  	_ =	shalt  }
0x58: {  	_ =	shalt  }
0x59: {  	_ =	shalt  }
0x5a: {  	_ =	shalt  }
0x5b: {  	_ =	shalt  }
0x5c: {  	_ =	shalt  }
0x5d: {  	_ =	shalt  }
0x5e: {  	_ =	shalt  }
0x5f: {  	_ =	shalt  }
0x60: {  	_ =	shalt  }
0x61: {  	_ =	shalt  }
0x62: {  	_ =	shalt  }
0x63: {  	_ =	shalt  }
0x64: {  	_ =	shalt  }
0x65: {  	_ =	shalt  }
0x66: {  	_ =	shalt  }
0x67: {  	_ =	shalt  }
0x68: {  	_ =	shalt  }
0x69: {  	_ =	shalt  }
0x6a: {  	_ =	shalt  }
0x6b: {  	_ =	shalt  }
0x6c: {  	_ =	shalt  }
0x6d: {  	_ =	shalt  }
0x6e: {  	_ =	shalt  }
0x6f: {  	_ =	shalt  }
0x70: {  	_ =	shalt  }
0x71: {  	_ =	shalt  }
0x72: {  	_ =	shalt  }
0x73: {  	_ =	shalt  }
0x74: {  	_ =	shalt  }
0x75: {  	_ =	shalt  }
0x76: {  	_ =	shalt  }
0x77: {  	_ =	shalt  }
0x78: {  	_ =	shalt  }
0x79: {  	_ =	shalt  }
0x7a: {  	_ =	shalt  }
0x7b: {  	_ =	shalt  }
0x7c: {  	_ =	shalt  }
0x7d: {  	_ =	shalt  }
0x7e: {  	_ =	shalt  }
0x7f: {  	_ =	shalt  }
0x80: {  	_ =	shalt  }
0x81: {  	_ =	shalt  }
0x82: {  	_ =	shalt  }
0x83: {  	_ =	shalt  }
0x84: {  	_ =	shalt  }
0x85: {  	_ =	shalt  }
0x86: {  	_ =	shalt  }
0x87: {  	_ =	shalt  }
.Lfunc_end0:
.L_simem_size_0:
called_computation.2_lowered:
.L_overlay_start_0:
0x88: {  	s2 =	sld [smem:$0x3FD9]  }
0x89: {  	s3 =	sld [smem:$0x3FFE];
	_ =	sdelay $0x1  }
0x8a: {  	s1 =	srdreg.scid  }
0x8b: {  	s0 =	sand.u32 $0x1, s1  }
0x8c: {  	s14 =	sshll.u32 s0, $0xA;
	s2 =	sadd.s32 s3, s2  }
0x8d: {  	s2 =	sadd.s32 s2, s14  }
0x8e: {  	[smem:$0x3FC5] =	sst s2  }
0x8f: {  	_ = 	snop  }
0x90: {  	s2 =	sld [smem:$0x3FD0];
	_ =	sdelay $0x2  }
0x91: {  	s15 =	simm.s32 $0xB;
	s4 =	simm.s32 $0x10  }
0x92: {  	[smem:s4], [sflag:s15] =	dma.local [hbm:s2], $0x1  }
0x93: {  	_ =	swait.eq [sflag:s15], $0x1  }
0x94: {  	[sflag:s15] =	ssyncset.done $0x0  }
0x95: {  	[sflag:s15] =	ssyncadd.s32 $0xFFFFFFFF  }
0x96: {  	s16 =	sld [smem:$0x10];
	(tm) =	ssettm $0x1  }
0x97: {  	s17 =	sld [smem:$0x3FFB];
	_ =	sdelay $0x3  }
0x98: {  	_ =	strace s17  }
0x99: {  	s3 =	sld [smem:$0x3FFC];
	_ =	sdelay $0x3  }
0x9a: {  	_ =	strace s3  }
0x9b: {  	s3 =	sld [smem:$0x3FFD];
	_ =	sdelay $0x3  }
0x9c: {  	_ =	strace s3  }
0x9d: {  	_ =	strace $0x8FFFFFFF  }
0x9e: {  	s18 =	sld [smem:$0x3FDB];
	_ =	sdelay $0x1  }
0x9f: {  	s19 =	simm.s32 $_scs_section_size  }
0xa0: {  	s5 =	simm.s32 $_size__tile_overlayer_lowered;
	s6 =	simm.s32 $_tile_overlayer_lowered  }
0xa1: {  	s22 =	simm.s32 $0x1BFF;
	s21 =	sshll.u32 s6, $0x1;
	s3 =	sadd.s32 s19, s18  }
0xa2: {  	s7 =	simm.s32 $0x0;
	s20 =	sshll.u32 s5, $0x1;
	s5 =	sadd.s32 s21, s3  }
0xa3: {  	[timem:s7], [sflag:s22] =	dma.local [hbm:s5], s20  }
0xa4: {  	_ =	swait.ge [sflag:s22], s20  }
0xa5: {  	s4 =	ssub.s32 $0x0, s20;
	[sflag:s22] =	ssyncset.done $0x0  }
0xa6: {  	[sflag:s22] =	ssyncadd.s32 s4;
	_ =	sdelay $0x1  }
0xa7: {  	s23 =	simm.s32 $0x1B8B  }
0xa8: {  	_ =	swait.ge [sflag:s23], $0x1  }
0xa9: {  	[sflag:s23] =	ssyncset.done $0x0  }
0xaa: {  	s25 =	simm.s32 $0x1B8E;
	s24 =	sld [smem:$0x3FFE];
	[sflag:s23] =	ssyncadd.s32 $0xFFFFFFFF  }
0xab: {  	s26 =	simm.s32 $execute0_lowered;
	[smem:$0x3FD2] =	sst s25  }
0xac: {  	s5 =	sshll.u32 s26, $0x1;
	_ =	strace $0x80000046;
	[dreg:$0x1] =	wrdreg $0xFFFFFFFF  }
0xad: {  	s28 =	simm.s32 $_size_execute0_lowered;
	s3 =	sadd.s32 s3, s5;
	[dreg:$0x0] =	wrdreg $0x0  }
0xae: {  	s5 =	sshll.u32 s28, $0x1;
	[dreg:$0x2] =	wrdreg s3  }
0xaf: {  	[dreg:$0x3] =	wrdreg s5  }
0xb0: {  	[dreg:$0x4] =	wrdreg $0xC0  }
0xb1: {  	_ =	task [dreg:s7], $0x5FFFF  }
0xb2: {  	[dreg:$0x1] =	wrdreg $0xFFFFFFFF  }
0xb3: {  	[dreg:$0x0] =	wrdreg $0x60  }
0xb4: {  	[dreg:$0x2] =	wrdreg s24  }
0xb5: {  	[dreg:$0x3] =	wrdreg s16  }
0xb6: {  	[dreg:$0x4] =	wrdreg $0x9  }
0xb7: {  	_ =	task.clear_ibuf [dreg:s7], $0x5FFFF;
	_ =	strace $0x90000046  }
0xb8: {  	s29 =	simm.s32 $0x9;
	_ =	strace $0x80000048  }
0xb9: {  	_ =	swait.ge [sflag:s29], $0x1  }
0xba: {  	[sflag:s29] =	ssyncadd.s32 $0xFFFFFFFF  }
0xbb: {  	_ =	strace $0x90000048  }
0xbc: {  	_ =	sfence  }
0xbd: {  	s30 =	sld [smem:$0x0];
	_ =	sdelay $0x2  }
0xbe: {  	s31 =	sshll.u32 s1, $0xD;
	s1 =	sshrl.u32 s1, $0x2  }
0xbf: {  	s3 =	sand.u32 $0x4000, s31;
	s1 =	sadd.s32 s1, s30  }
0xc0: {  	s0 =	sor.u32 s3, s0;
	s1 =	sshll.u32 s1, $0x11  }
0xc1: {  	s0 =	sor.u32 s1, s0  }
0xc2: {  	s0 =	sadd.s32 $0x8F2B, s0  }
0xc3: {  	[sflag:s0] =	ssyncadd.remote.s32 $0x1  }
0xc4: {  	_ =	sfence.sel $0xFFFF  }
0xc5: {  	[dreg:$0x0] =	wrdreg $0xFFFFFFFF;
	(pc) =	sbr.abs _section_cstart, $3  }
0xc6: {  	[dreg:$0x1] =	wrdreg $0xFFFFFFFF  }
0xc7: {  	_ =	task.clear_ibuf [dreg:s7], $0x2FFFF;
	_ =	strace $0x9FFFFFFF  }
0xc8: {  	(tm) =	ssettm $0x7FFFFFFF  }
0xc9: {  	_ =	shalt  }
tec
execute0_lowered:
.L_overlay_start_1:
0x0: {  	(tag) =	ssettag $0x1  }
0x1: {  	s4 =	rddreg [dreg:$0x0]  }
0x2: {  	s5 =	rddreg [dreg:$0x1]  }
0x3: {  	s0 =	rddreg [dreg:$0x2]  }
0x4: {  	s3 =	srdreg.scid;
	s1 =	stileid.u32  }
0x5: {  	s2 =	simm.s32 $0x0;
	s14 =	simm.s32 $0x100;
	s15 =	simm.s32 $0xE400  }
0x6: {  	s16 =	simm.s32 $0x180;
	s17 =	simm.s32 $0x12400;
	s18 =	simm.s32 $0x1  }
0x7: {  	s19 =	simm.s32 $0x2;
	s20 =	simm.s32 $0x3;
	s21 =	simm.s32 $0x4  }
0x8: {  	s22 =	simm.s32 $0x0;
	s6 =	sand.u32 $0x1, s3;
	s10 =	smul.u32 $0xC8000, s1  }
0x9: {  	s28 =	sshll.u32 s1, $0x1;
	[smem:$0x7FF] =	sst s2;
	s12 =	smul.u32 $0x640000, s1  }
0xa: {  	s3 =	sadd.s32 $0xF43600, s4;
	s7 =	sor.u32 s6, s28;
	s13 =	smul.u32 $0x320000, s6  }
0xb: {  	s9 =	sadd.s32 $0x1200, s4;
	s29 =	ssub.s32 $0x2, s6;
	s8 =	smul.u32 $0xC80, s7  }
0xc: {  	_ =	strace $0x80000047;
	s7 =	smul.u32 $0x320000, s7;
	s11 =	sshrl.u32 s29, $0x1  }
0xd: {  	s30 =	smul.u32 $0x64000, s6;
	s10 =	sadd.s32 s10, s9;
	s11 =	ssub.s32 s29, s11  }
0xe: {  	s12 =	sadd.s32 s13, s12;
	s13 =	simm.s32 $0xA400;
	s7 =	sshrl.u32 s7, $0x3  }
0xf: {  	s4 =	sadd.s32 s5, s8;
	s8 =	sadd.s32 s30, s10;
	s31 =	sshrl.u32 s12, $0x3  }
0x10: {  	s10 =	simm.s32 $0x5;
	s12 =	simm.s32 $0x6400;
	s7 =	sadd.s32 s9, s7  }
0x11: {  	s8 =	sadd.s32 $0x1000, s8;
	s9 =	sadd.s32 s31, s9;
	s5 =	sadd.s32 $0x62000, s7  }
0x12: {  	s6 =	sadd.s32 $0x63000, s7;
	s7 =	smax.u32 s11, $0x1;
	s11 =	simm.s32 $0x80  }
.LBB2_1:
0x13: {  	[tilespmem:s2], [sflag:$0x5] =	stream.linear.gather [hbm4b:s4+s2], $0x6400, $0x38;
	[tilespmem:$0x16400] =	vst v63  }
0x14: {  	_ =	swait.ge [sflag:s10], $0x6400  }
0x15: {  	[sflag:s10] =	ssyncset.done $0x0  }
0x16: {  	[sflag:s10] =	ssyncadd.s32 $0xFFFF9C00  }
0x17: {  	[tilespmem:s12], [sflag:$0x1] =	stream.indirect.gather [hbm4b:s3+s11], $0x80, s2, s11, $0xb8;
	[tilespmem:$0x16400] =	vst v63  }
0x18: {  	_ = 	snop  }
0x19: {  	[tilespmem:s13], [sflag:$0x1] =	stream.indirect.gather [hbm4b:s3+s11], $0x80, s11, s11, $0xb8;
	[tilespmem:$0x16400] =	vst v63  }
0x1a: {  	_ = 	snop  }
0x1b: {  	[tilespmem:s15], [sflag:$0x2] =	stream.indirect.gather [hbm4b:s3+s11], $0x80, s14, s11, $0xb8;
	[tilespmem:$0x16400] =	vst v63  }
0x1c: {  	_ = 	snop  }
0x1d: {  	[tilespmem:s17], [sflag:$0x2] =	stream.indirect.gather [hbm4b:s3+s11], $0x80, s16, s11, $0xb8;
	[tilespmem:$0x16400] =	vst v63  }
0x1e: {  	_ =	swait.ge [sflag:s18], $0x4000  }
0x1f: {  	[sflag:s18] =	ssyncset.done $0x0  }
0x20: {  	[sflag:s18] =	ssyncadd.s32 $0xFFFFC000  }
0x21: {  	_ =	swait.ge [sflag:s18], $0x4000  }
0x22: {  	[sflag:s18] =	ssyncset.done $0x0  }
0x23: {  	[sflag:s18] =	ssyncadd.s32 $0xFFFFC000  }
0x24: {  	[hbm4b:s9+s2] =	stream.linear.scatter [tilespmem:s12], [sflag:$0x3], $0x8000, $0x38;
	[tilespmem:$0x16400] =	vst v63  }
0x25: {  	_ =	swait.ge [sflag:s19], $0x4000  }
0x26: {  	[sflag:s19] =	ssyncset.done $0x0  }
0x27: {  	[sflag:s19] =	ssyncadd.s32 $0xFFFFC000  }
0x28: {  	_ =	swait.ge [sflag:s19], $0x4000  }
0x29: {  	[sflag:s19] =	ssyncset.done $0x0  }
0x2a: {  	[sflag:s19] =	ssyncadd.s32 $0xFFFFC000  }
0x2b: {  	[hbm4b:s8+s2] =	stream.linear.scatter [tilespmem:s15], [sflag:$0x4], $0x8000, $0x38;
	[tilespmem:$0x16400] =	vst v63  }
0x2c: {  	_ =	swait.ge [sflag:s20], $0x8000  }
0x2d: {  	[sflag:s20] =	ssyncset.done $0x0  }
0x2e: {  	s23 =	simm.s32 $0x200;
	[sflag:s20] =	ssyncadd.s32 $0xFFFF8000  }
0x2f: {  	[tilespmem:s12], [sflag:$0x1] =	stream.indirect.gather [hbm4b:s3+s11], $0x80, s23, s11, $0xb8;
	[tilespmem:$0x16400] =	vst v63  }
0x30: {  	s30 =	simm.s32 $0x280  }
0x31: {  	[tilespmem:s13], [sflag:$0x1] =	stream.indirect.gather [hbm4b:s3+s11], $0x80, s30, s11, $0xb8;
	[tilespmem:$0x16400] =	vst v63  }
0x32: {  	s31 =	simm.s32 $0x300;
	_ =	swait.ge [sflag:s21], $0x8000  }
0x33: {  	s26 =	simm.s32 $0x380;
	s24 =	sadd.s32 $0x2000, s8;
	[sflag:s21] =	ssyncset.done $0x0  }
0x34: {  	s25 =	sadd.s32 $0x2000, s9;
	s23 =	simm.s32 $0x800;
	[sflag:s21] =	ssyncadd.s32 $0xFFFF8000  }
0x35: {  	[tilespmem:s15], [sflag:$0x2] =	stream.indirect.gather [hbm4b:s3+s11], $0x80, s31, s11, $0xb8;
	[tilespmem:$0x16400] =	vst v63  }
.LBB2_2:
0x36: {  	[tilespmem:s17], [sflag:$0x2] =	stream.indirect.gather [hbm4b:s3+s11], $0x80, s26, s11, $0xb8;
	[tilespmem:$0x16400] =	vst v63  }
0x37: {  	s26 =	smov.u32 s23  }
0x38: {  	p0 =	sne.s32 s23, $0x18000;
	s23 =	sadd.s32 $0x800, s23;
	_ =	swait.ge [sflag:s18], $0x4000  }
0x39: {  	[sflag:s18] =	ssyncset.done $0x0  }
0x3a: {  	[sflag:s18] =	ssyncadd.s32 $0xFFFFC000  }
0x3b: {  	_ =	swait.ge [sflag:s18], $0x4000  }
0x3c: {  	[sflag:s18] =	ssyncset.done $0x0  }
0x3d: {  	[sflag:s18] =	ssyncadd.s32 $0xFFFFC000  }
0x3e: {  	[hbm4b:s25+s2] =	stream.linear.scatter [tilespmem:s12], [sflag:$0x3], $0x8000, $0x38;
	[tilespmem:$0x16400] =	vst v63  }
0x3f: {  	_ =	swait.ge [sflag:s19], $0x4000  }
0x40: {  	[sflag:s19] =	ssyncset.done $0x0  }
0x41: {  	[sflag:s19] =	ssyncadd.s32 $0xFFFFC000  }
0x42: {  	_ =	swait.ge [sflag:s19], $0x4000  }
0x43: {  	[sflag:s19] =	ssyncset.done $0x0  }
0x44: {  	[sflag:s19] =	ssyncadd.s32 $0xFFFFC000  }
0x45: {  	[hbm4b:s24+s2] =	stream.linear.scatter [tilespmem:s15], [sflag:$0x4], $0x8000, $0x38;
	[tilespmem:$0x16400] =	vst v63  }
0x46: {  	_ =	swait.ge [sflag:s20], $0x8000  }
0x47: {  	s26 =	sshra.s32 s26, $0x2;
	[sflag:s20] =	ssyncset.done $0x0  }
0x48: {  	s28 =	sadd.s32 $0x200, s26;
	[sflag:s20] =	ssyncadd.s32 $0xFFFF8000  }
0x49: {  	[tilespmem:s12], [sflag:$0x1] =	stream.indirect.gather [hbm4b:s3+s11], $0x80, s28, s11, $0xb8;
	[tilespmem:$0x16400] =	vst v63  }
0x4a: {  	s28 =	sadd.s32 $0x280, s26  }
0x4b: {  	[tilespmem:s13], [sflag:$0x1] =	stream.indirect.gather [hbm4b:s3+s11], $0x80, s28, s11, $0xb8;
	[tilespmem:$0x16400] =	vst v63  }
.Ltmp0:
0x4c: {  	_ =	swait.ge [sflag:s21], $0x8000;
	(pc) =	sbr.rel @p0 .LBB2_2-.Ltmp0, $4  }
0x4d: {  	[sflag:s21] =	ssyncset.done $0x0  }
0x4e: {  	s28 =	sadd.s32 $0x300, s26;
	[sflag:s21] =	ssyncadd.s32 $0xFFFF8000  }
0x4f: {  	[tilespmem:s15], [sflag:$0x2] =	stream.indirect.gather [hbm4b:s3+s11], $0x80, s28, s11, $0xb8;
	[tilespmem:$0x16400] =	vst v63  }
0x50: {  	s25 =	sadd.s32 $0x2000, s25;
	s24 =	sadd.s32 $0x2000, s24;
	s26 =	sadd.s32 $0x380, s26  }
0x51: {  	[tilespmem:s17], [sflag:$0x2] =	stream.indirect.gather [hbm4b:s3+s11], $0x80, s26, s11, $0xb8;
	[tilespmem:$0x16400] =	vst v63  }
0x52: {  	_ =	swait.ge [sflag:s18], $0x4000  }
0x53: {  	[sflag:s18] =	ssyncset.done $0x0  }
0x54: {  	[sflag:s18] =	ssyncadd.s32 $0xFFFFC000  }
0x55: {  	_ =	swait.ge [sflag:s18], $0x4000  }
0x56: {  	[sflag:s18] =	ssyncset.done $0x0  }
0x57: {  	[sflag:s18] =	ssyncadd.s32 $0xFFFFC000  }
0x58: {  	[hbm4b:s5+s2] =	stream.linear.scatter [tilespmem:s12], [sflag:$0x3], $0x8000, $0x38;
	[tilespmem:$0x16400] =	vst v63  }
0x59: {  	_ =	swait.ge [sflag:s19], $0x4000  }
0x5a: {  	[sflag:s19] =	ssyncset.done $0x0  }
0x5b: {  	[sflag:s19] =	ssyncadd.s32 $0xFFFFC000  }
0x5c: {  	_ =	swait.ge [sflag:s19], $0x4000  }
0x5d: {  	[sflag:s19] =	ssyncset.done $0x0  }
0x5e: {  	s22 =	sadd.s32 $0x1, s22;
	[sflag:s19] =	ssyncadd.s32 $0xFFFFC000  }
0x5f: {  	[hbm4b:s6+s2] =	stream.linear.scatter [tilespmem:s15], [sflag:$0x4], $0x8000, $0x38;
	[tilespmem:$0x16400] =	vst v63  }
0x60: {  	p0 =	sne.s32 s22, s7;
	_ =	swait.ge [sflag:s20], $0x8000  }
.Ltmp1:
0x61: {  	[sflag:s20] =	ssyncset.done $0x0;
	(pc) =	sbr.rel @p0 .LBB2_1-.Ltmp1, $4  }
0x62: {  	[sflag:s20] =	ssyncadd.s32 $0xFFFF8000  }
0x63: {  	_ =	swait.ge [sflag:s21], $0x8000  }
0x64: {  	[sflag:s21] =	ssyncset.done $0x0  }
0x65: {  	[sflag:s21] =	ssyncadd.s32 $0xFFFF8000  }
0x66: {  	_ =	sfence.sel $0x180000  }
0x67: {  	[bflag:$0x0] =	sbarrier.arrive $0xFFFF  }
0x68: {  	p0 =	sne.s32 s1, $0x0;
	_ =	strace $0x90000047  }
0x69: {  	s0 =	sadd.s32 @!p0 $0x100000, s0;
	[bflag:$0x2] =	sbarrier.arrive $0xFFFF  }
0x6a: {  	[sflag:s0] =	ssyncadd.tile.s32 @!p0 $0x1;
	_ =	shalt  }
.Lfunc_end2:
_tile_overlayer_lowered:
.L_overlay_start_2:
0x6b: {  	(tag) =	ssettag $0x2  }
0x6c: {  	s0 =	rddreg [dreg:$0x0];
	s2 =	stileid.u32  }
0x6d: {  	s1 =	rddreg [dreg:$0x1];
	p0 =	sne.s32 s2, $0x0  }
0x6e: {  	s3 =	rddreg [dreg:$0x2];
	[bflag:$0x3] =	sbarrier.arrive $0xFFFF;
	s2 =	simm.s32 @!p0 $0x1C05  }
0x6f: {  	[timem:s3], [sflag:s2] =	dma.local @!p0 [hbm:s0], s1  }
0x70: {  	s0 =	simm.s32 @!p0 $0x5  }
0x71: {  	_ =	swait.ge @!p0 [sflag:s0], s1  }
0x72: {  	s1 =	ssub.s32 @!p0 $0x0, s1;
	[sflag:s0] =	ssyncset.done @!p0 $0x0  }
0x73: {  	[sflag:s0] =	ssyncadd.s32 @!p0 s1  }
0x74: {  	[bflag:$0x3] =	sbarrier.arrive $0xFFFF  }
0x75: {  	_ =	shalt  }

// kernel: sparse-core-data-format-call.1.cloned.1.call-start
scs
called_computation.1_lowered:
.L_overlay_start_0:
0x0: {  	s2 =	sld [smem:$0x3FD9]  }
0x1: {  	s3 =	sld [smem:$0x3FFE];
	_ =	sdelay $0x1  }
0x2: {  	s1 =	srdreg.scid  }
0x3: {  	s0 =	sand.u32 $0x1, s1  }
0x4: {  	s15 =	sshll.u32 s0, $0xA;
	s2 =	sadd.s32 s3, s2  }
0x5: {  	s2 =	sadd.s32 s2, s15  }
0x6: {  	[smem:$0x3FC5] =	sst s2  }
0x7: {  	_ = 	snop  }
0x8: {  	s2 =	sld [smem:$0x3FD0];
	_ =	sdelay $0x2  }
0x9: {  	s16 =	simm.s32 $0xB;
	s4 =	simm.s32 $0x10  }
0xa: {  	[smem:s4], [sflag:s16] =	dma.local [hbm:s2], $0x1  }
0xb: {  	_ =	swait.eq [sflag:s16], $0x1  }
0xc: {  	[sflag:s16] =	ssyncset.done $0x0  }
0xd: {  	[sflag:s16] =	ssyncadd.s32 $0xFFFFFFFF  }
0xe: {  	s17 =	sld [smem:$0x10];
	(tm) =	ssettm $0x1  }
0xf: {  	s18 =	sld [smem:$0x3FFB];
	_ =	sdelay $0x3  }
0x10: {  	_ =	strace s18  }
0x11: {  	s3 =	sld [smem:$0x3FFC];
	_ =	sdelay $0x3  }
0x12: {  	_ =	strace s3  }
0x13: {  	s3 =	sld [smem:$0x3FFD];
	_ =	sdelay $0x3  }
0x14: {  	_ =	strace s3  }
0x15: {  	_ =	strace $0x8FFFFFFF  }
0x16: {  	s19 =	sld [smem:$0x3FDB];
	_ =	sdelay $0x1  }
0x17: {  	s20 =	simm.s32 $_scs_section_size  }
0x18: {  	s5 =	simm.s32 $_size__tile_overlayer_lowered;
	s6 =	simm.s32 $_tile_overlayer_lowered  }
0x19: {  	s23 =	simm.s32 $0x1BFF;
	s22 =	sshll.u32 s6, $0x1;
	s3 =	sadd.s32 s20, s19  }
0x1a: {  	s7 =	simm.s32 $0x0;
	s21 =	sshll.u32 s5, $0x1;
	s5 =	sadd.s32 s22, s3  }
0x1b: {  	[timem:s7], [sflag:s23] =	dma.local [hbm:s5], s21  }
0x1c: {  	_ =	swait.ge [sflag:s23], s21  }
0x1d: {  	s4 =	ssub.s32 $0x0, s21;
	[sflag:s23] =	ssyncset.done $0x0  }
0x1e: {  	[sflag:s23] =	ssyncadd.s32 s4;
	_ =	sdelay $0x1  }
0x1f: {  	s24 =	simm.s32 $0x1B8B  }
0x20: {  	_ =	swait.ge [sflag:s24], $0x1  }
0x21: {  	[sflag:s24] =	ssyncset.done $0x0  }
0x22: {  	s26 =	simm.s32 $0x1B8E;
	s25 =	sld [smem:$0x3FFE];
	[sflag:s24] =	ssyncadd.s32 $0xFFFFFFFF  }
0x23: {  	s27 =	simm.s32 $execute0_lowered;
	[smem:$0x3FD2] =	sst s26  }
0x24: {  	s5 =	sshll.u32 s27, $0x1;
	_ =	strace $0x80000049;
	[dreg:$0x1] =	wrdreg $0xFFFFFFFF  }
0x25: {  	s28 =	simm.s32 $_size_execute0_lowered;
	s3 =	sadd.s32 s3, s5;
	[dreg:$0x0] =	wrdreg $0x0  }
0x26: {  	s5 =	sshll.u32 s28, $0x1;
	[dreg:$0x2] =	wrdreg s3  }
0x27: {  	[dreg:$0x3] =	wrdreg s5  }
0x28: {  	[dreg:$0x4] =	wrdreg $0xC0  }
0x29: {  	_ =	task [dreg:s7], $0x5FFFF  }
0x2a: {  	[dreg:$0x1] =	wrdreg $0xFFFFFFFF  }
0x2b: {  	[dreg:$0x0] =	wrdreg $0x60  }
0x2c: {  	[dreg:$0x2] =	wrdreg s25  }
0x2d: {  	[dreg:$0x3] =	wrdreg s17  }
0x2e: {  	[dreg:$0x4] =	wrdreg $0xA  }
0x2f: {  	_ =	task.clear_ibuf [dreg:s7], $0x5FFFF;
	_ =	strace $0x90000049  }
0x30: {  	s29 =	simm.s32 $0xA;
	_ =	strace $0x8000004B  }
0x31: {  	_ =	swait.ge [sflag:s29], $0x1  }
0x32: {  	[sflag:s29] =	ssyncadd.s32 $0xFFFFFFFF  }
0x33: {  	_ =	strace $0x9000004B  }
0x34: {  	_ =	sfence  }
0x35: {  	s30 =	sld [smem:$0x0];
	_ =	sdelay $0x2  }
0x36: {  	s31 =	sshll.u32 s1, $0xD;
	s1 =	sshrl.u32 s1, $0x2  }
0x37: {  	s3 =	sand.u32 $0x4000, s31;
	s1 =	sadd.s32 s1, s30  }
0x38: {  	s0 =	sor.u32 s3, s0;
	s1 =	sshll.u32 s1, $0x11  }
0x39: {  	s0 =	sor.u32 s1, s0  }
0x3a: {  	s0 =	sadd.s32 $0x8F2B, s0  }
0x3b: {  	[sflag:s0] =	ssyncadd.remote.s32 $0x1  }
0x3c: {  	_ =	sfence.sel $0xFFFF  }
0x3d: {  	[dreg:$0x0] =	wrdreg $0xFFFFFFFF;
	(pc) =	sbr.abs _section_cstart, $3  }
0x3e: {  	[dreg:$0x1] =	wrdreg $0xFFFFFFFF  }
0x3f: {  	_ =	task.clear_ibuf [dreg:s7], $0x2FFFF;
	_ =	strace $0x9FFFFFFF  }
0x40: {  	(tm) =	ssettm $0x7FFFFFFF  }
0x41: {  	_ =	shalt  }
tec
execute0_lowered:
.L_overlay_start_1:
0x0: {  	(tag) =	ssettag $0x1  }
0x1: {  	s0 =	srdreg.scid  }
0x2: {  	s1 =	sshll.u32 s0, $0x4  }
0x3: {  	s0 =	stileid.u32;
	s1 =	sand.u32 $0x10, s1  }
0x4: {  	s1 =	sor.u32 s0, s1  }
0x5: {  	s6 =	rddreg [dreg:$0x0];
	s4 =	simm.s32 $0x1;
	s2 =	sshll.u32 s1, $0x7  }
0x6: {  	s7 =	simm.s32 $0x2;
	s12 =	simm.s32 $0x0;
	s1 =	ssub.s32 $0x4000, s2  }
0x7: {  	s8 =	simm.s32 $0x20000;
	s13 =	simm.s32 $0x0;
	s3 =	sand.u32 $0xF80, s1  }
0x8: {  	s9 =	simm.s32 $0x0;
	s5 =	sshrl.u32 s1, $0xC;
	p0 =	sne.s32 s3, $0x0  }
.Ltmp0:
0x9: {  	s1 =	rddreg [dreg:$0x2];
	s4 =	simm.s32 @!p0 $0x0;
	(pc) =	sbr.rel .LBB1_1-.Ltmp0, $4  }
0xa: {  	s11 =	simm.s32 $0x0;
	s3 =	rddreg [dreg:$0x1];
	s5 =	sadd.s32 s4, s5  }
0xb: {  	_ =	strace $0x8000004A;
	s4 =	simm.s32 $0x1;
	s5 =	smul.u32 $0x32, s5  }
0xc: {  	s6 =	sadd.s32 $0x1200, s6;
	s10 =	smov.u32 s2;
	[sflag:s4] =	ssyncpa.u1 $0x0  }
0xd: {  	p0 =	por $0x0, $0x0;
	[sflag:s7] =	ssyncpa.u1 $0x0;
	s7 =	sor.u32 $0x1, s5  }
.LBB1_4:
0xe: {  	s16 =	sshll.u32 s13, $0x3;
	s17 =	sand.u32 $0x78, s13  }
0xf: {  	s30 =	sand.u32 $0x1F800, s13;
	s12 =	sshll.u32 s12, $0x11;
	s16 =	sand.u32 $0x3C00, s16  }
0x10: {  	[tilespmem:s15+$0x810 ss:$0x81] =	vst.msk $0xffff, v2;
	s31 =	sand.u32 $0x7, s13;
	s16 =	sor.u32 s17, s16;
	s17 =	sadd.s32 s3, s30  }
0x11: {  	[tilespmem:s15+$0x1020 ss:$0x81] =	vst.msk $0xffff, v0;
	s13 =	sshll.u32 s31, $0x12;
	s12 =	sadd.s32 s12, s17;
	s16 =	sshrl.u32 s16, $0x3  }
0x12: {  	[tilespmem:s15+$0x0 ss:$0x81] =	vst.msk $0xffff, v1;
	s13 =	sor.u32 $0x400, s13;
	s12 =	sadd.s32 s16, s12  }
0x13: {  	[hbm4b:s12+s13] =	stream.strided.scatter [tilespmem:s14], [sflag:$0x2], $0x2000, s8, s13, $0x20;
	[tilespmem:$0x8080] =	vst v63  }
.LBB1_5:
0x14: {  	s14 =	sadd.s32 $0x1, s9  }
0x15: {  	s12 =	sadd.s32 $0x1000, s10;
	s16 =	smov.u32 s10;
	p2 =	sgt.s32 s14, $0x31  }
0x16: {  	s16 =	smov.u32 @p2 s12  }
0x17: {  	s14 =	simm.s32 @p2 $0x0;
	p2 =	sgt.s32 s16, $0x3FFF  }
0x18: {  	s16 =	smov.u32 @p2 s2;
	p2 =	sne.s32 s11, s7  }
.Ltmp1:
0x19: {  	p1 =	slt.u32 s11, $0x2;
	(pc) =	sbr.rel @!p2 .LBB1_6-.Ltmp1, $4  }
0x1a: {  	s15 =	simm.s32 @!p1 $0x2  }
0x1b: {  	s13 =	smov.u32 s10;
	p0 =	por !p0, !p0;
	_ =	swait.ge @!p1 [sflag:s15], $0x2000  }
0x1c: {  	s12 =	smov.u32 s9;
	[sflag:s15] =	ssyncset.done @!p1 $0x0;
	s9 =	smov.u32 s14  }
0x1d: {  	s11 =	sadd.s32 $0x1, s11;
	[sflag:s15] =	ssyncadd.s32 @!p1 $0xFFFFE000;
	s10 =	smov.u32 s16  }
.LBB1_1:
0x1e: {  	p1 =	sge.u32 s11, s5  }
0x1f: {  	s14 =	sand.u32 @!p1 $0x1FFFFFF, s9  }
0x20: {  	s15 =	smulhi.u32 @!p1 $0x4924925, s14;
	_ =	sdelay $0x1  }
0x21: {  	s15 =	smul.u32 @!p1 $0x38, s15  }
0x22: {  	s16 =	sxor.u32 @!p1 $0xFFFFFFFF, s11;
	s17 =	smul.u32 @!p1 $0x380, s10  }
0x23: {  	s31 =	sadd.s32 $0xFFFFFFFF, s11;
	s16 =	sshll.u32 @!p1 s16, $0xD;
	s14 =	ssub.s32 @!p1 s14, s15  }
0x24: {  	s15 =	sand.u32 @!p1 $0x2000, s16;
	s16 =	sadd.s32 @!p1 s6, s17;
	s14 =	sshll.u32 @!p1 s14, $0x4  }
0x25: {  	s17 =	simm.s32 @!p1 $0x1C00;
	s14 =	sadd.s32 @!p1 s14, s16;
	s16 =	simm.s32 @!p1 $0x40  }
0x26: {  	[tilespmem:s15], [sflag:$0x1] =	stream.strided.gather @!p1 [hbm4b:s14+s16], $0x2000, s17, s16, $0x38;
	[tilespmem:$0x8080] =	vst v63  }
0x27: {  	p1 =	sge.u32 s31, s5  }
.Ltmp2:
0x28: {  	_ = 	snop;
	(pc) =	sbr.rel @p1 .LBB1_5-.Ltmp2, $1  }
0x29: {  	_ =	sdelay $0x3  }
0x2a: {  	s14 =	simm.s32 $0x1  }
0x2b: {  	_ =	swait.ge [sflag:s4], $0x2000;
	s14 =	simm.s32 @!p0 $0x0  }
0x2c: {  	[sflag:s4] =	ssyncset.done $0x0;
	s15 =	sshll.u32 s14, $0xD  }
0x2d: {  	[sflag:s4] =	ssyncadd.s32 $0xFFFFE000;
	s18 =	sor.u32 $0x20, s15  }
0x2e: {  	s14 =	smul.u32 $0x8100, s14;
	v3 =	vld [tilespmem:s18+$0x10]  }
0x2f: {  	s30 =	sand.u32 $0x1, s11;
	v2 =	vld [tilespmem:s18+$0xFFFFFFF0]  }
0x30: {  	s15 =	smul.u32 $0x8100, s30;
	s14 =	sshrl.u32 s14, $0x2;
	v0 =	vld [tilespmem:s18+$0x0]  }
0x31: {  	v1 =	vld [tilespmem:s18+$0xFFFFFFE0];
	s16 =	sor.u32 $0x4000, s14  }
0x32: {  	s31 =	sshrl.u32 s15, $0x2;
	s15 =	sadd.s32 $0x0, s16  }
0x33: {  	s17 =	simm.s32 $0x4;
	s18 =	sadd.s32 $0x40, s18;
	s14 =	sor.u32 $0x4000, s31;
	[tilespmem:s15+$0x1830 ss:$0x81] =	vst.msk $0xffff, v3  }
.LBB1_3:
0x34: {  	v3 =	vld [tilespmem:s18+$0x10];
	p1 =	sne.s32 s17, $0x1FC;
	[tilespmem:s15+$0x810 ss:$0x81] =	vst.msk $0xffff, v2;
	s19 =	smov.u32 s17;
	s17 =	sadd.s32 $0x4, s17  }
.Ltmp3:
0x35: {  	v2 =	vld [tilespmem:s18+$0xFFFFFFF0];
	[tilespmem:s15+$0x1020 ss:$0x81] =	vst.msk $0xffff, v0;
	(pc) =	sbr.rel @p1 .LBB1_3-.Ltmp3, $4  }
0x36: {  	v0 =	vld [tilespmem:s18+$0x0];
	[tilespmem:s15+$0x0 ss:$0x81] =	vst.msk $0xffff, v1  }
0x37: {  	s15 =	sshra.s32 s19, $0x2;
	v1 =	vld [tilespmem:s18+$0xFFFFFFE0]  }
0x38: {  	s15 =	sadd.s32 s15, s16  }
0x39: {  	s18 =	sadd.s32 $0x40, s18;
	[tilespmem:s15+$0x1830 ss:$0x81] =	vst.msk $0xffff, v3  }
.Ltmp4:
0x3a: {  	_ = 	snop;
	(pc) =	sbr.rel .LBB1_4-.Ltmp4, $1  }
0x3b: {  	_ =	sdelay $0x3  }
.LBB1_6:
0x3c: {  	_ =	sfence.sel $0x180000  }
0x3d: {  	s2 =	simm.s32 $0x1;
	[bflag:$0x0] =	sbarrier.arrive $0xFFFF  }
0x3e: {  	s31 =	simm.s32 $0x2;
	[sflag:s2] =	ssyncpa.u1 $0x1  }
0x3f: {  	[sflag:s31] =	ssyncpa.u1 $0x1  }
0x40: {  	p0 =	sne.s32 s0, $0x0;
	_ =	strace $0x9000004A  }
0x41: {  	s0 =	sadd.s32 @!p0 $0x100000, s1;
	[bflag:$0x2] =	sbarrier.arrive $0xFFFF  }
0x42: {  	[sflag:s0] =	ssyncadd.tile.s32 @!p0 $0x1;
	_ =	shalt  }
.Lfunc_end1:
_tile_overlayer_lowered:
.L_overlay_start_2:
0x43: {  	(tag) =	ssettag $0x2  }
0x44: {  	s0 =	rddreg [dreg:$0x0];
	s2 =	stileid.u32  }
0x45: {  	s1 =	rddreg [dreg:$0x1];
	p0 =	sne.s32 s2, $0x0  }
0x46: {  	s3 =	rddreg [dreg:$0x2];
	[bflag:$0x3] =	sbarrier.arrive $0xFFFF;
	s2 =	simm.s32 @!p0 $0x1C01  }
0x47: {  	[timem:s3], [sflag:s2] =	dma.local @!p0 [hbm:s0], s1  }
0x48: {  	s0 =	simm.s32 @!p0 $0x1  }
0x49: {  	_ =	swait.ge @!p0 [sflag:s0], s1  }
0x4a: {  	s1 =	ssub.s32 @!p0 $0x0, s1;
	[sflag:s0] =	ssyncset.done @!p0 $0x0  }
0x4b: {  	[sflag:s0] =	ssyncadd.s32 @!p0 s1  }
0x4c: {  	[bflag:$0x3] =	sbarrier.arrive $0xFFFF  }
0x4d: {  	_ =	shalt  }

// kernel: sparse-core-data-format-call.cloned.1.call-start
scs
called_computation_lowered:
.L_overlay_start_0:
0x0: {  	s2 =	sld [smem:$0x3FD9]  }
0x1: {  	s3 =	sld [smem:$0x3FFE];
	_ =	sdelay $0x1  }
0x2: {  	s1 =	srdreg.scid  }
0x3: {  	s0 =	sand.u32 $0x1, s1  }
0x4: {  	s16 =	sshll.u32 s0, $0xA;
	s2 =	sadd.s32 s3, s2  }
0x5: {  	s2 =	sadd.s32 s2, s16  }
0x6: {  	[smem:$0x3FC5] =	sst s2  }
0x7: {  	_ = 	snop  }
0x8: {  	s2 =	sld [smem:$0x3FD0];
	_ =	sdelay $0x2  }
0x9: {  	s17 =	simm.s32 $0xB;
	s4 =	simm.s32 $0x10  }
0xa: {  	[smem:s4], [sflag:s17] =	dma.local [hbm:s2], $0x1  }
0xb: {  	_ =	swait.eq [sflag:s17], $0x1  }
0xc: {  	[sflag:s17] =	ssyncset.done $0x0  }
0xd: {  	[sflag:s17] =	ssyncadd.s32 $0xFFFFFFFF  }
0xe: {  	s18 =	sld [smem:$0x11];
	(tm) =	ssettm $0x1  }
0xf: {  	s19 =	sld [smem:$0x3FFB];
	_ =	sdelay $0x3  }
0x10: {  	_ =	strace s19  }
0x11: {  	s2 =	sld [smem:$0x3FFC];
	_ =	sdelay $0x3  }
0x12: {  	_ =	strace s2  }
0x13: {  	s2 =	sld [smem:$0x3FFD];
	_ =	sdelay $0x3  }
0x14: {  	_ =	strace s2  }
0x15: {  	_ =	strace $0x8FFFFFFF  }
0x16: {  	s20 =	sld [smem:$0x3FDB];
	_ =	sdelay $0x1  }
0x17: {  	s21 =	simm.s32 $_scs_section_size  }
0x18: {  	s5 =	simm.s32 $_size__tile_overlayer_lowered;
	s6 =	simm.s32 $_tile_overlayer_lowered  }
0x19: {  	s7 =	simm.s32 $0x1BFF;
	s22 =	sshll.u32 s6, $0x1;
	s4 =	sadd.s32 s21, s20  }
0x1a: {  	s23 =	simm.s32 $0x0;
	s5 =	sshll.u32 s5, $0x1;
	s6 =	sadd.s32 s22, s4  }
0x1b: {  	[timem:s23], [sflag:s7] =	dma.local [hbm:s6], s5  }
0x1c: {  	_ =	swait.ge [sflag:s7], s5  }
0x1d: {  	s5 =	ssub.s32 $0x0, s5;
	[sflag:s7] =	ssyncset.done $0x0  }
0x1e: {  	[sflag:s7] =	ssyncadd.s32 s5;
	_ =	sdelay $0x1  }
0x1f: {  	s24 =	simm.s32 $0x1B8B  }
0x20: {  	_ =	swait.ge [sflag:s24], $0x1  }
0x21: {  	[sflag:s24] =	ssyncset.done $0x0  }
0x22: {  	[sflag:s24] =	ssyncadd.s32 $0xFFFFFFFF  }
0x23: {  	s5 =	sld [smem:$0x0]  }
0x24: {  	s6 =	sand.u32 $0xFFFFFFFE, s1  }
0x25: {  	p0 =	sne.s32 s1, s6  }
0x26: {  	s6 =	sshll.u32 @p0 s6, $0xE  }
0x27: {  	s6 =	sadd.s32 @p0 $0x11B8D, s6;
	s7 =	sshll.u32 @p0 s5, $0x11  }
0x28: {  	s6 =	sor.u32 @p0 s7, s6  }
0x29: {  	[sflag:s6] =	ssyncadd.remote.s32 @p0 $0x1;
	_ =	sdelay $0x1  }
0x2a: {  	s6 =	simm.s32 @p0 $0x1B8D  }
0x2b: {  	_ =	swait.eq @p0 [sflag:s6], $0x1  }
0x2c: {  	[sflag:s6] =	ssyncadd.s32 @p0 $0xFFFFFFFF  }
0x2d: {  	s7 =	sshll.u32 @!p0 s1, $0xE  }
0x2e: {  	s7 =	sor.u32 @!p0 $0x4000, s7;
	s6 =	simm.s32 @!p0 $0x1B8D  }
0x2f: {  	s5 =	sshll.u32 @!p0 s5, $0x11;
	s7 =	sadd.s32 @!p0 $0x11B8D, s7;
	_ =	swait.eq @!p0 [sflag:s6], $0x1  }
0x30: {  	s5 =	sor.u32 @!p0 s5, s7;
	[sflag:s6] =	ssyncadd.s32 @!p0 $0xFFFFFFFF  }
0x31: {  	s26 =	simm.s32 $0x1B8E;
	s25 =	sld [smem:$0x3FFE];
	[sflag:s5] =	ssyncadd.remote.s32 @!p0 $0x1  }
0x32: {  	s27 =	simm.s32 $execute0_lowered;
	[smem:$0x3FD2] =	sst s26  }
0x33: {  	s6 =	sshll.u32 s27, $0x1;
	_ =	strace $0x8000004C;
	[dreg:$0x1] =	wrdreg $0xFFFFFFFF  }
0x34: {  	s28 =	simm.s32 $_size_execute0_lowered;
	s4 =	sadd.s32 s4, s6;
	[dreg:$0x0] =	wrdreg $0x0  }
0x35: {  	s6 =	sshll.u32 s28, $0x1;
	[dreg:$0x2] =	wrdreg s4  }
0x36: {  	[dreg:$0x3] =	wrdreg s6  }
0x37: {  	[dreg:$0x4] =	wrdreg $0xC0  }
0x38: {  	_ =	task [dreg:s23], $0x5FFFF  }
0x39: {  	[dreg:$0x1] =	wrdreg $0xFFFFFFFF  }
0x3a: {  	[dreg:$0x0] =	wrdreg $0x60  }
0x3b: {  	[dreg:$0x2] =	wrdreg s25  }
0x3c: {  	[dreg:$0x3] =	wrdreg s18  }
0x3d: {  	[dreg:$0x4] =	wrdreg $0x9  }
0x3e: {  	_ =	task.clear_ibuf [dreg:s23], $0x5FFFF;
	_ =	strace $0x9000004C  }
0x3f: {  	s29 =	simm.s32 $0x9;
	_ =	strace $0x8000004E  }
0x40: {  	_ =	swait.ge [sflag:s29], $0x1  }
0x41: {  	[sflag:s29] =	ssyncadd.s32 $0xFFFFFFFF  }
0x42: {  	_ =	strace $0x9000004E  }
0x43: {  	_ =	sfence  }
0x44: {  	s30 =	sld [smem:$0x0];
	_ =	sdelay $0x2  }
0x45: {  	s31 =	sshll.u32 s1, $0xD;
	s1 =	sshrl.u32 s1, $0x2  }
0x46: {  	s4 =	sand.u32 $0x4000, s31;
	s1 =	sadd.s32 s1, s30  }
0x47: {  	s0 =	sor.u32 s4, s0;
	s1 =	sshll.u32 s1, $0x11  }
0x48: {  	s0 =	sor.u32 s1, s0  }
0x49: {  	s0 =	sadd.s32 $0x8F2B, s0  }
0x4a: {  	[sflag:s0] =	ssyncadd.remote.s32 $0x1  }
0x4b: {  	_ =	sfence.sel $0xFFFF  }
0x4c: {  	[dreg:$0x0] =	wrdreg $0xFFFFFFFF;
	(pc) =	sbr.abs _section_cstart, $3  }
0x4d: {  	[dreg:$0x1] =	wrdreg $0xFFFFFFFF  }
0x4e: {  	_ =	task.clear_ibuf [dreg:s23], $0x2FFFF;
	_ =	strace $0x9FFFFFFF  }
0x4f: {  	(tm) =	ssettm $0x7FFFFFFF  }
tec
execute0_lowered:
.L_overlay_start_1:
0x0: {  	(tag) =	ssettag $0x1  }
0x1: {  	s0 =	srdreg.scid  }
0x2: {  	s1 =	sshll.u32 s0, $0x4  }
0x3: {  	s0 =	stileid.u32;
	s1 =	sand.u32 $0x10, s1  }
0x4: {  	s1 =	sor.u32 s0, s1  }
0x5: {  	s6 =	rddreg [dreg:$0x0];
	s4 =	simm.s32 $0x1;
	s2 =	sshll.u32 s1, $0x7  }
0x6: {  	s7 =	simm.s32 $0x2;
	s12 =	simm.s32 $0x0;
	s1 =	ssub.s32 $0x4000, s2  }
0x7: {  	s8 =	simm.s32 $0x20000;
	s13 =	simm.s32 $0x0;
	s3 =	sand.u32 $0xF80, s1  }
0x8: {  	s9 =	simm.s32 $0x0;
	s5 =	sshrl.u32 s1, $0xC;
	p0 =	sne.s32 s3, $0x0  }
.Ltmp0:
0x9: {  	s1 =	rddreg [dreg:$0x2];
	s4 =	simm.s32 @!p0 $0x0;
	(pc) =	sbr.rel .LBB1_1-.Ltmp0, $4  }
0xa: {  	s11 =	simm.s32 $0x0;
	s3 =	rddreg [dreg:$0x1];
	s5 =	sadd.s32 s4, s5  }
0xb: {  	_ =	strace $0x8000004D;
	s4 =	simm.s32 $0x1;
	s5 =	smul.u32 $0x32, s5  }
0xc: {  	s6 =	sadd.s32 $0xE01200, s6;
	s10 =	smov.u32 s2;
	[sflag:s4] =	ssyncpa.u1 $0x0  }
0xd: {  	p0 =	por $0x0, $0x0;
	[sflag:s7] =	ssyncpa.u1 $0x0;
	s7 =	sor.u32 $0x1, s5  }
.LBB1_4:
0xe: {  	s16 =	sshll.u32 s13, $0x3;
	s17 =	sand.u32 $0x78, s13  }
0xf: {  	s30 =	sand.u32 $0x1F800, s13;
	s12 =	sshll.u32 s12, $0x11;
	s16 =	sand.u32 $0x3C00, s16  }
0x10: {  	[tilespmem:s15+$0x810 ss:$0x81] =	vst.msk $0xffff, v2;
	s31 =	sand.u32 $0x7, s13;
	s16 =	sor.u32 s17, s16;
	s17 =	sadd.s32 s3, s30  }
0x11: {  	[tilespmem:s15+$0x1020 ss:$0x81] =	vst.msk $0xffff, v0;
	s13 =	sshll.u32 s31, $0x12;
	s12 =	sadd.s32 s12, s17;
	s16 =	sshrl.u32 s16, $0x3  }
0x12: {  	[tilespmem:s15+$0x0 ss:$0x81] =	vst.msk $0xffff, v1;
	s13 =	sor.u32 $0x400, s13;
	s12 =	sadd.s32 s16, s12  }
0x13: {  	[hbm4b:s12+s13] =	stream.strided.scatter [tilespmem:s14], [sflag:$0x2], $0x2000, s8, s13, $0x20;
	[tilespmem:$0x8080] =	vst v63  }
.LBB1_5:
0x14: {  	s14 =	sadd.s32 $0x1, s9  }
0x15: {  	s12 =	sadd.s32 $0x1000, s10;
	s16 =	smov.u32 s10;
	p2 =	sgt.s32 s14, $0x31  }
0x16: {  	s16 =	smov.u32 @p2 s12  }
0x17: {  	s14 =	simm.s32 @p2 $0x0;
	p2 =	sgt.s32 s16, $0x3FFF  }
0x18: {  	s16 =	smov.u32 @p2 s2;
	p2 =	sne.s32 s11, s7  }
.Ltmp1:
0x19: {  	p1 =	slt.u32 s11, $0x2;
	(pc) =	sbr.rel @!p2 .LBB1_6-.Ltmp1, $4  }
0x1a: {  	s15 =	simm.s32 @!p1 $0x2  }
0x1b: {  	s13 =	smov.u32 s10;
	p0 =	por !p0, !p0;
	_ =	swait.ge @!p1 [sflag:s15], $0x2000  }
0x1c: {  	s12 =	smov.u32 s9;
	[sflag:s15] =	ssyncset.done @!p1 $0x0;
	s9 =	smov.u32 s14  }
0x1d: {  	s11 =	sadd.s32 $0x1, s11;
	[sflag:s15] =	ssyncadd.s32 @!p1 $0xFFFFE000;
	s10 =	smov.u32 s16  }
.LBB1_1:
0x1e: {  	p1 =	sge.u32 s11, s5  }
0x1f: {  	s14 =	sand.u32 @!p1 $0x1FFFFFF, s9  }
0x20: {  	s15 =	smulhi.u32 @!p1 $0x4924925, s14;
	_ =	sdelay $0x1  }
0x21: {  	s15 =	smul.u32 @!p1 $0x38, s15  }
0x22: {  	s16 =	sxor.u32 @!p1 $0xFFFFFFFF, s11;
	s17 =	smul.u32 @!p1 $0x380, s10  }
0x23: {  	s31 =	sadd.s32 $0xFFFFFFFF, s11;
	s16 =	sshll.u32 @!p1 s16, $0xD;
	s14 =	ssub.s32 @!p1 s14, s15  }
0x24: {  	s15 =	sand.u32 @!p1 $0x2000, s16;
	s16 =	sadd.s32 @!p1 s6, s17;
	s14 =	sshll.u32 @!p1 s14, $0x4  }
0x25: {  	s17 =	simm.s32 @!p1 $0x1C00;
	s14 =	sadd.s32 @!p1 s14, s16;
	s16 =	simm.s32 @!p1 $0x40  }
0x26: {  	[tilespmem:s15], [sflag:$0x1] =	stream.strided.gather @!p1 [hbm4b:s14+s16], $0x2000, s17, s16, $0x38;
	[tilespmem:$0x8080] =	vst v63  }
0x27: {  	p1 =	sge.u32 s31, s5  }
.Ltmp2:
0x28: {  	_ = 	snop;
	(pc) =	sbr.rel @p1 .LBB1_5-.Ltmp2, $1  }
0x29: {  	_ =	sdelay $0x3  }
0x2a: {  	s14 =	simm.s32 $0x1  }
0x2b: {  	_ =	swait.ge [sflag:s4], $0x2000;
	s14 =	simm.s32 @!p0 $0x0  }
0x2c: {  	[sflag:s4] =	ssyncset.done $0x0;
	s15 =	sshll.u32 s14, $0xD  }
0x2d: {  	[sflag:s4] =	ssyncadd.s32 $0xFFFFE000;
	s18 =	sor.u32 $0x20, s15  }
0x2e: {  	s14 =	smul.u32 $0x8100, s14;
	v3 =	vld [tilespmem:s18+$0x10]  }
0x2f: {  	s30 =	sand.u32 $0x1, s11;
	v2 =	vld [tilespmem:s18+$0xFFFFFFF0]  }
0x30: {  	s15 =	smul.u32 $0x8100, s30;
	s14 =	sshrl.u32 s14, $0x2;
	v0 =	vld [tilespmem:s18+$0x0]  }
0x31: {  	v1 =	vld [tilespmem:s18+$0xFFFFFFE0];
	s16 =	sor.u32 $0x4000, s14  }
0x32: {  	s31 =	sshrl.u32 s15, $0x2;
	s15 =	sadd.s32 $0x0, s16  }
0x33: {  	s17 =	simm.s32 $0x4;
	s18 =	sadd.s32 $0x40, s18;
	s14 =	sor.u32 $0x4000, s31;
	[tilespmem:s15+$0x1830 ss:$0x81] =	vst.msk $0xffff, v3  }
.LBB1_3:
0x34: {  	v3 =	vld [tilespmem:s18+$0x10];
	p1 =	sne.s32 s17, $0x1FC;
	[tilespmem:s15+$0x810 ss:$0x81] =	vst.msk $0xffff, v2;
	s19 =	smov.u32 s17;
	s17 =	sadd.s32 $0x4, s17  }
.Ltmp3:
0x35: {  	v2 =	vld [tilespmem:s18+$0xFFFFFFF0];
	[tilespmem:s15+$0x1020 ss:$0x81] =	vst.msk $0xffff, v0;
	(pc) =	sbr.rel @p1 .LBB1_3-.Ltmp3, $4  }
0x36: {  	v0 =	vld [tilespmem:s18+$0x0];
	[tilespmem:s15+$0x0 ss:$0x81] =	vst.msk $0xffff, v1  }
0x37: {  	s15 =	sshra.s32 s19, $0x2;
	v1 =	vld [tilespmem:s18+$0xFFFFFFE0]  }
0x38: {  	s15 =	sadd.s32 s15, s16  }
0x39: {  	s18 =	sadd.s32 $0x40, s18;
	[tilespmem:s15+$0x1830 ss:$0x81] =	vst.msk $0xffff, v3  }
.Ltmp4:
0x3a: {  	_ = 	snop;
	(pc) =	sbr.rel .LBB1_4-.Ltmp4, $1  }
0x3b: {  	_ =	sdelay $0x3  }
.LBB1_6:
0x3c: {  	_ =	sfence.sel $0x180000  }
0x3d: {  	s2 =	simm.s32 $0x1;
	[bflag:$0x0] =	sbarrier.arrive $0xFFFF  }
0x3e: {  	s31 =	simm.s32 $0x2;
	[sflag:s2] =	ssyncpa.u1 $0x1  }
0x3f: {  	[sflag:s31] =	ssyncpa.u1 $0x1  }
0x40: {  	p0 =	sne.s32 s0, $0x0;
	_ =	strace $0x9000004D  }
0x41: {  	s0 =	sadd.s32 @!p0 $0x100000, s1;
	[bflag:$0x2] =	sbarrier.arrive $0xFFFF  }
0x42: {  	[sflag:s0] =	ssyncadd.tile.s32 @!p0 $0x1;
	_ =	shalt  }
.Lfunc_end1:
_tile_overlayer_lowered:
.L_overlay_start_2:
0x43: {  	(tag) =	ssettag $0x2  }
0x44: {  	s0 =	rddreg [dreg:$0x0];
	s2 =	stileid.u32  }
0x45: {  	s1 =	rddreg [dreg:$0x1];
	p0 =	sne.s32 s2, $0x0  }
0x46: {  	s3 =	rddreg [dreg:$0x2];
	[bflag:$0x3] =	sbarrier.arrive $0xFFFF;
	s2 =	simm.s32 @!p0 $0x1C01  }
0x47: {  	[timem:s3], [sflag:s2] =	dma.local @!p0 [hbm:s0], s1  }
0x48: {  	s0 =	simm.s32 @!p0 $0x1  }
0x49: {  	_ =	swait.ge @!p0 [sflag:s0], s1  }
0x4a: {  	s1 =	ssub.s32 @!p0 $0x0, s1;
	[sflag:s0] =	ssyncset.done @!p0 $0x0  }
0x4b: {  	[sflag:s0] =	ssyncadd.s32 @!p0 s1  }
0x4c: {  	[bflag:$0x3] =	sbarrier.arrive $0xFFFF  }
0x4d: {  	_ =	shalt  }

</sc_bundles>
